<compile_context>
chip_gen: v7x
topology: tpu7x:2x2x1
jax: 0.10.2.dev20260603
libtpu: 0.0.44.dev20260713+nightly
codegen_flags: <defaults>
</compile_context>

<pallas_src>
import jax
import jax.numpy as jnp
from jax import lax
from jax.experimental import pallas as pl
from jax.experimental.pallas import tpu as pltpu
from jax.experimental.pallas import tpu_sc as plsc

N_NODES = 10000
NODE_SIZE = 128
EDGE_SIZE = 16
OUT_CHANNELS = 32
N_EDGES = 320000

NC = 2
NS = 16
NW = NC * NS
E_PER_W = N_EDGES // NW
CHUNK = 125
NCHUNK = E_PER_W // CHUNK
ROWS_PER_TILE = N_NODES // NS
D_SC = 40


_E_ROWS = N_EDGES // 4
_E_BLK = 16000
_N4 = N_NODES // 4


def _front_body(x4_ref, wa4_ref, wb4_ref, eat0_ref, eat1_ref, eat2_ref,
                eat3_ref, we4_ref, b1_ref, a4_ref, b4_ref, e_ref):
    @pl.when(pl.program_id(0) == 0)
    def _():
        xv = x4_ref[...]
        a4_ref[...] = jnp.dot(xv, wa4_ref[...],
                              preferred_element_type=jnp.float32)
        b4_ref[...] = jnp.dot(xv, wb4_ref[...],
                              preferred_element_type=jnp.float32)

    cat = jnp.concatenate(
        [eat0_ref[...], eat1_ref[...], eat2_ref[...], eat3_ref[...]], axis=0)
    e_ref[...] = lax.dot_general(
        cat, we4_ref[...],
        dimension_numbers=(((0,), (0,)), ((), ())),
        preferred_element_type=jnp.float32,
    ) + b1_ref[...]


def _compute_front(x4, edge_attr_t, wa4, wb4, we4, b1row128):
    grid = (_E_ROWS // _E_BLK,)

    def eat_spec(k):
        nblk = _E_ROWS // _E_BLK
        return pl.BlockSpec((EDGE_SIZE, _E_BLK),
                            lambda i, kk=k: (0, nblk * kk + i))

    return pl.pallas_call(
        _front_body,
        grid=grid,
        in_specs=[
            pl.BlockSpec((_N4, 4 * NODE_SIZE), lambda i: (0, 0)),
            pl.BlockSpec((4 * NODE_SIZE, 128), lambda i: (0, 0)),
            pl.BlockSpec((4 * NODE_SIZE, 128), lambda i: (0, 0)),
            eat_spec(0), eat_spec(1), eat_spec(2), eat_spec(3),
            pl.BlockSpec((4 * EDGE_SIZE, 128), lambda i: (0, 0)),
            pl.BlockSpec((1, 128), lambda i: (0, 0)),
        ],
        out_specs=(
            pl.BlockSpec((_N4, 128), lambda i: (0, 0)),
            pl.BlockSpec((_N4, 128), lambda i: (0, 0)),
            pl.BlockSpec((_E_BLK, 128), lambda i: (i, 0)),
        ),
        out_shape=(
            jax.ShapeDtypeStruct((_N4, 128), jnp.float32),
            jax.ShapeDtypeStruct((_N4, 128), jnp.float32),
            jax.ShapeDtypeStruct((_E_ROWS, 128), jnp.float32),
        ),
    )(x4, wa4, wb4, edge_attr_t, edge_attr_t, edge_attr_t, edge_attr_t,
      we4, b1row128)


def _sc_body(a_hbm, b_hbm, e_hbm, idxi_hbm, idxj_hbm, zeros_hbm, hinit_hbm,
             out_hbm, idxi_v, idxj_v, a_buf0, a_buf1, b_buf0, b_buf1,
             e_buf0, e_buf1, h_buf0, h_buf1, stage_v, acc,
             sem_g0, sem_g1, sem_s0, sem_s1):
    c = lax.axis_index("c")
    s = lax.axis_index("s")
    wid = c * NS + s
    a_bufs = (a_buf0, a_buf1)
    b_bufs = (b_buf0, b_buf1)
    e_bufs = (e_buf0, e_buf1)
    h_bufs = (h_buf0, h_buf1)
    sem_g = (sem_g0, sem_g1)
    sem_s = (sem_s0, sem_s1)

    cps = (
        pltpu.async_copy(idxi_hbm.at[wid], idxi_v, sem_g0),
        pltpu.async_copy(idxj_hbm.at[wid], idxj_v, sem_g0),
        pltpu.async_copy(hinit_hbm, h_buf0, sem_g0),
        pltpu.async_copy(hinit_hbm, h_buf1, sem_g0),
        pltpu.async_copy(zeros_hbm, stage_v, sem_g0),
    )
    for cp in cps:
        cp.wait()
    row0 = s * ROWS_PER_TILE
    e_col0 = (wid // 8) * OUT_CHANNELS
    e_row0 = (wid % 8) * E_PER_W

    def start(g, p):
        pltpu.async_copy(a_hbm.at[idxi_v.at[g]], a_bufs[p], sem_g[p])
        pltpu.async_copy(b_hbm.at[idxj_v.at[g]], b_bufs[p], sem_g[p])
        pltpu.async_copy(
            e_hbm.at[pl.ds(e_row0 + g * CHUNK, CHUNK),
                     pl.ds(e_col0, OUT_CHANNELS)],
            e_bufs[p], sem_g[p])

    def drain_gathers(p):
        pltpu.make_async_copy(a_hbm.at[pl.ds(0, CHUNK)], a_bufs[p],
                              sem_g[p]).wait()
        pltpu.make_async_copy(a_hbm.at[pl.ds(0, CHUNK)], b_bufs[p],
                              sem_g[p]).wait()
        pltpu.make_async_copy(
            e_hbm.at[pl.ds(0, CHUNK), pl.ds(0, OUT_CHANNELS)], e_bufs[p],
            sem_g[p]).wait()

    def drain_scatter(p):
        pltpu.make_async_copy(hinit_hbm, h_bufs[p], sem_s[p]).wait()

    def pair_body(gg, carry):
        for p in (0, 1):
            g = 2 * gg + p

            @pl.when(g < NCHUNK)
            def _():
                @pl.when(g + 1 < NCHUNK)
                def _():
                    start(g + 1, 1 - p)

                drain_gathers(p)

                @pl.when(g >= 2)
                def _():
                    drain_scatter(p)

                ab, bb, eb, hb = a_bufs[p], b_bufs[p], e_bufs[p], h_bufs[p]

                @plsc.parallel_loop(0, CHUNK, unroll=5)
                def _(r):
                    for hh in (0, 16):
                        sl = pl.ds(hh, 16)
                        hb[r, sl] = jnp.maximum(
                            ab[r, sl] + bb[r, sl] + eb[r, sl], 0.0)
                pltpu.async_copy(hb, acc.at[idxi_v.at[g]], sem_s[p],
                                 add=True)
        return carry

    pltpu.sync_copy(stage_v, acc.at[pl.ds(row0, ROWS_PER_TILE)])
    plsc.subcore_barrier()
    start(0, 0)
    lax.fori_loop(0, (NCHUNK + 1) // 2, pair_body, 0)
    drain_scatter(0)
    drain_scatter(1)
    plsc.subcore_barrier()
    pltpu.sync_copy(acc.at[pl.ds(row0, ROWS_PER_TILE)], stage_v)
    pltpu.sync_copy(stage_v, out_hbm.at[c, s])


def _sc_scatter(a, b, e, idxi3, idxj3, zeros_tile, hinit):
    mesh = plsc.VectorSubcoreMesh(core_axis_name="c", subcore_axis_name="s")
    kfn = pl.kernel(
        _sc_body,
        out_type=jax.ShapeDtypeStruct((NC, NS, ROWS_PER_TILE, D_SC),
                                      jnp.float32),
        mesh=mesh,
        scratch_types=[
            pltpu.VMEM((NCHUNK, CHUNK), jnp.int32),
            pltpu.VMEM((NCHUNK, CHUNK), jnp.int32),
            pltpu.VMEM((CHUNK, OUT_CHANNELS), jnp.float32),
            pltpu.VMEM((CHUNK, OUT_CHANNELS), jnp.float32),
            pltpu.VMEM((CHUNK, OUT_CHANNELS), jnp.float32),
            pltpu.VMEM((CHUNK, OUT_CHANNELS), jnp.float32),
            pltpu.VMEM((CHUNK, OUT_CHANNELS), jnp.float32),
            pltpu.VMEM((CHUNK, OUT_CHANNELS), jnp.float32),
            pltpu.VMEM((CHUNK, D_SC), jnp.float32),
            pltpu.VMEM((CHUNK, D_SC), jnp.float32),
            pltpu.VMEM((ROWS_PER_TILE, D_SC), jnp.float32),
            pltpu.VMEM_SHARED((N_NODES, D_SC), jnp.float32),
            pltpu.SemaphoreType.DMA,
            pltpu.SemaphoreType.DMA,
            pltpu.SemaphoreType.DMA,
            pltpu.SemaphoreType.DMA,
        ],
        compiler_params=pltpu.CompilerParams(use_tc_tiling_on_sc=False),
    )
    return kfn(a, b, e, idxi3, idxj3, zeros_tile, hinit)


def _fin_body(p_ref, w2e_ref, o_ref):
    t = p_ref[0] + p_ref[1]
    o_ref[...] = lax.dot_general(
        w2e_ref[...], t,
        dimension_numbers=(((0,), (1,)), ((), ())),
        preferred_element_type=jnp.float32,
    )


def _finalize(parts, w2e):
    return pl.pallas_call(
        _fin_body,
        out_shape=jax.ShapeDtypeStruct((OUT_CHANNELS, N_NODES), jnp.float32),
    )(parts, w2e)


def kernel(x, edge_index, edge_attr, W1, b1, W2, b2):
    w1a = W1[:NODE_SIZE]
    w1b = W1[NODE_SIZE:2 * NODE_SIZE]
    w1e = W1[2 * NODE_SIZE:]
    eye4 = jnp.eye(4, dtype=jnp.float32)
    a4, b4, e = _compute_front(
        x.reshape(_N4, 4 * NODE_SIZE), edge_attr.T,
        jnp.kron(eye4, w1a), jnp.kron(eye4, w1b), jnp.kron(eye4, w1e),
        jnp.tile(b1, 4).reshape(1, 128))
    a = a4.reshape(N_NODES, OUT_CHANNELS)
    b = b4.reshape(N_NODES, OUT_CHANNELS)

    idxi3 = edge_index[0].reshape(NW, NCHUNK, CHUNK)
    idxj3 = edge_index[1].reshape(NW, NCHUNK, CHUNK)
    zeros_tile = jnp.zeros((ROWS_PER_TILE, D_SC), jnp.float32)
    hinit = jnp.zeros((CHUNK, D_SC), jnp.float32).at[:, OUT_CHANNELS].set(1.0)

    parts = _sc_scatter(a, b, e, idxi3, idxj3, zeros_tile, hinit)
    parts = parts.reshape(NC, N_NODES, D_SC)

    w2e = jnp.concatenate(
        [W2, b2[None, :], jnp.zeros((D_SC - OUT_CHANNELS - 1, OUT_CHANNELS),
                                    jnp.float32)], axis=0)
    return _finalize(parts, w2e).T

# --- scband reference (transcript-rebuilt; emitter-appended) ---
"""Pipeline reference for scband-sac-1752346657359 (READ-ONLY COPY).

The authoritative reference and input builder live on the scoring server;
editing this copy changes nothing except your own understanding.
"""

import jax, jax.numpy as jnp
import numpy as np

NODE_SIZE = 128
EDGE_SIZE = 16
OUT_CHANNELS = 32
N_NODES = 10000
N_EDGES = 320000


def setup_inputs(seed: int = 0) -> dict:
    key = jax.random.key(seed)
    k_x, k_ei, k_ea, k_w1, k_b1, k_w2, k_b2 = jax.random.split(key, 7)
    x = jax.random.normal(k_x, (N_NODES, NODE_SIZE), dtype=jnp.float32)
    edge_index = jax.random.randint(k_ei, (2, N_EDGES), 0, N_NODES, dtype=jnp.int64 if jax.config.jax_enable_x64 else jnp.int32).astype(jnp.int32)
    edge_attr = jax.random.normal(k_ea, (N_EDGES, EDGE_SIZE), dtype=jnp.float32)
    in_dim = 2 * NODE_SIZE + EDGE_SIZE
    lim1 = 1.0 / np.sqrt(in_dim)
    lim2 = 1.0 / np.sqrt(OUT_CHANNELS)
    W1 = jax.random.uniform(k_w1, (in_dim, OUT_CHANNELS), minval=-lim1, maxval=lim1, dtype=jnp.float32)
    b1 = jax.random.uniform(k_b1, (OUT_CHANNELS,), minval=-lim1, maxval=lim1, dtype=jnp.float32)
    W2 = jax.random.uniform(k_w2, (OUT_CHANNELS, OUT_CHANNELS), minval=-lim2, maxval=lim2, dtype=jnp.float32)
    b2 = jax.random.uniform(k_b2, (OUT_CHANNELS,), minval=-lim2, maxval=lim2, dtype=jnp.float32)
    return {"x": x, "edge_index": edge_index, "edge_attr": edge_attr, "W1": W1, "b1": b1, "W2": W2, "b2": b2}


def reference(x, edge_index, edge_attr, W1, b1, W2, b2):
    # EdgeConv with flow='target_to_source', aggr='add':
    # x_i = x[edge_index[0]], x_j = x[edge_index[1]], aggregate at edge_index[0]
    idx_i = edge_index[0]
    idx_j = edge_index[1]
    x_i = jnp.take(x, idx_i, axis=0)
    x_j = jnp.take(x, idx_j, axis=0)
    tmp = jnp.concatenate([x_i, x_j, edge_attr], axis=1)
    h = jnp.maximum(tmp @ W1 + b1, 0.0)
    msg = h @ W2 + b2
    out = jax.ops.segment_sum(msg, idx_i, num_segments=x.shape[0])
    return out

if __name__ == "__main__":
    import jax
    _d = setup_inputs()
    print(jax.jit(kernel)(*tuple(_d.values())))

</pallas_src>

<mosaic_0001>
#map = affine_map<(d0, d1) -> (0, 0)>
#map1 = affine_map<(d0, d1) -> (0, 0, 0)>
#map2 = affine_map<(d0, d1) -> (0, 0, 0, 0)>
module attributes {stable_mosaic.version = 14 : i64} {
  func.func @_sc_body(%arg0: i32, %arg1: i32, %arg2: memref<10000x32xf32, #tpu.memory_space<hbm>>, %arg3: memref<10000x32xf32, #tpu.memory_space<hbm>>, %arg4: memref<80000x128xf32, #tpu.memory_space<hbm>>, %arg5: memref<32x80x125xi32, #tpu.memory_space<hbm>>, %arg6: memref<32x80x125xi32, #tpu.memory_space<hbm>>, %arg7: memref<625x40xf32, #tpu.memory_space<hbm>>, %arg8: memref<125x40xf32, #tpu.memory_space<hbm>>, %arg9: memref<2x16x625x40xf32, #tpu.memory_space<hbm>>, %arg10: memref<80x125xi32, #tpu.memory_space<vmem>>, %arg11: memref<80x125xi32, #tpu.memory_space<vmem>>, %arg12: memref<125x32xf32, #tpu.memory_space<vmem>>, %arg13: memref<125x32xf32, #tpu.memory_space<vmem>>, %arg14: memref<125x32xf32, #tpu.memory_space<vmem>>, %arg15: memref<125x32xf32, #tpu.memory_space<vmem>>, %arg16: memref<125x32xf32, #tpu.memory_space<vmem>>, %arg17: memref<125x32xf32, #tpu.memory_space<vmem>>, %arg18: memref<125x40xf32, #tpu.memory_space<vmem>>, %arg19: memref<125x40xf32, #tpu.memory_space<vmem>>, %arg20: memref<625x40xf32, #tpu.memory_space<vmem>>, %arg21: memref<10000x40xf32, #tpu.memory_space<vmem_shared>>, %arg22: memref<!tpu.dma_semaphore, #tpu.memory_space<semaphore_mem>>, %arg23: memref<!tpu.dma_semaphore, #tpu.memory_space<semaphore_mem>>, %arg24: memref<!tpu.dma_semaphore, #tpu.memory_space<semaphore_mem>>, %arg25: memref<!tpu.dma_semaphore, #tpu.memory_space<semaphore_mem>>) attributes {dimension_semantics = [#tpu.dimension_semantics<core_parallel>, #tpu.dimension_semantics<subcore_parallel>], iteration_bounds = array<i64: 2, 16>, scalar_prefetch = 0 : i64, scratch_operands = 16 : i64, tpu.core_type = #tpu.core_type<sc_vector_subcore>, window_params = [{transform_indices = #map}, {transform_indices = #map}, {transform_indices = #map}, {transform_indices = #map1}, {transform_indices = #map1}, {transform_indices = #map}, {transform_indices = #map}, {transform_indices = #map2}]} {
    %mul3A = arith.constant 16 : i32
    %mul3A_0 = arith.muli %arg0, %mul3A : i32
    %add3A = arith.addi %mul3A_0, %arg1 : i32
    %dma_start3A = arith.constant 0 : i32
    %dma_start3A_1 = arith.constant 0 : i32
    %dma_start3A_2 = tpu.memref_slice %arg5[%add3A, %dma_start3A, %dma_start3A_1] : memref<32x80x125xi32, #tpu.memory_space<hbm>> -> memref<1x80x125xi32, #tpu.memory_space<hbm>>
    %dma_start3A_3 = tpu.memref_squeeze %dma_start3A_2 : memref<1x80x125xi32, #tpu.memory_space<hbm>> -> memref<80x125xi32, #tpu.memory_space<hbm>>
    %dma_start3A_4 = arith.constant 0 : i32
    %dma_start3A_5 = arith.constant 0 : i32
    %dma_start3A_6 = tpu.memref_slice %arg5[%add3A, %dma_start3A_4, %dma_start3A_5] : memref<32x80x125xi32, #tpu.memory_space<hbm>> -> memref<1x80x125xi32, #tpu.memory_space<hbm>>
    %dma_start3A_7 = tpu.memref_squeeze %dma_start3A_6 : memref<1x80x125xi32, #tpu.memory_space<hbm>> -> memref<80x125xi32, #tpu.memory_space<hbm>>
    tpu.enqueue_dma source(%dma_start3A_7 : memref<80x125xi32, #tpu.memory_space<hbm>>) target(%arg10 : memref<80x125xi32, #tpu.memory_space<vmem>>) target_semaphore(%arg22 : memref<!tpu.dma_semaphore, #tpu.memory_space<semaphore_mem>>)
    %dma_start3A_8 = arith.constant 0 : i32
    %dma_start3A_9 = arith.constant 0 : i32
    %dma_start3A_10 = tpu.memref_slice %arg6[%add3A, %dma_start3A_8, %dma_start3A_9] : memref<32x80x125xi32, #tpu.memory_space<hbm>> -> memref<1x80x125xi32, #tpu.memory_space<hbm>>
    %dma_start3A_11 = tpu.memref_squeeze %dma_start3A_10 : memref<1x80x125xi32, #tpu.memory_space<hbm>> -> memref<80x125xi32, #tpu.memory_space<hbm>>
    %dma_start3A_12 = arith.constant 0 : i32
    %dma_start3A_13 = arith.constant 0 : i32
    %dma_start3A_14 = tpu.memref_slice %arg6[%add3A, %dma_start3A_12, %dma_start3A_13] : memref<32x80x125xi32, #tpu.memory_space<hbm>> -> memref<1x80x125xi32, #tpu.memory_space<hbm>>
    %dma_start3A_15 = tpu.memref_squeeze %dma_start3A_14 : memref<1x80x125xi32, #tpu.memory_space<hbm>> -> memref<80x125xi32, #tpu.memory_space<hbm>>
    tpu.enqueue_dma source(%dma_start3A_15 : memref<80x125xi32, #tpu.memory_space<hbm>>) target(%arg11 : memref<80x125xi32, #tpu.memory_space<vmem>>) target_semaphore(%arg22 : memref<!tpu.dma_semaphore, #tpu.memory_space<semaphore_mem>>)
    tpu.enqueue_dma source(%arg8 : memref<125x40xf32, #tpu.memory_space<hbm>>) target(%arg18 : memref<125x40xf32, #tpu.memory_space<vmem>>) target_semaphore(%arg22 : memref<!tpu.dma_semaphore, #tpu.memory_space<semaphore_mem>>)
    tpu.enqueue_dma source(%arg8 : memref<125x40xf32, #tpu.memory_space<hbm>>) target(%arg19 : memref<125x40xf32, #tpu.memory_space<vmem>>) target_semaphore(%arg22 : memref<!tpu.dma_semaphore, #tpu.memory_space<semaphore_mem>>)
    tpu.enqueue_dma source(%arg7 : memref<625x40xf32, #tpu.memory_space<hbm>>) target(%arg20 : memref<625x40xf32, #tpu.memory_space<vmem>>) target_semaphore(%arg22 : memref<!tpu.dma_semaphore, #tpu.memory_space<semaphore_mem>>)
    %dma_wait3A = arith.constant 0 : i32
    %dma_wait3A_16 = arith.constant 0 : i32
    %dma_wait3A_17 = tpu.memref_slice %arg5[%add3A, %dma_wait3A, %dma_wait3A_16] : memref<32x80x125xi32, #tpu.memory_space<hbm>> -> memref<1x80x125xi32, #tpu.memory_space<hbm>>
    %dma_wait3A_18 = tpu.memref_squeeze %dma_wait3A_17 : memref<1x80x125xi32, #tpu.memory_space<hbm>> -> memref<80x125xi32, #tpu.memory_space<hbm>>
    %dma_wait3A_19 = arith.constant 0 : i32
    %dma_wait3A_20 = arith.constant 0 : i32
    %dma_wait3A_21 = tpu.memref_slice %arg5[%add3A, %dma_wait3A_19, %dma_wait3A_20] : memref<32x80x125xi32, #tpu.memory_space<hbm>> -> memref<1x80x125xi32, #tpu.memory_space<hbm>>
    %dma_wait3A_22 = tpu.memref_squeeze %dma_wait3A_21 : memref<1x80x125xi32, #tpu.memory_space<hbm>> -> memref<80x125xi32, #tpu.memory_space<hbm>>
    tpu.wait_dma2 semaphore(%arg22 : memref<!tpu.dma_semaphore, #tpu.memory_space<semaphore_mem>>) src(%dma_wait3A_22 : memref<80x125xi32, #tpu.memory_space<hbm>>) dst(%arg10 : memref<80x125xi32, #tpu.memory_space<vmem>>)
    %dma_wait3A_23 = arith.constant 0 : i32
    %dma_wait3A_24 = arith.constant 0 : i32
    %dma_wait3A_25 = tpu.memref_slice %arg6[%add3A, %dma_wait3A_23, %dma_wait3A_24] : memref<32x80x125xi32, #tpu.memory_space<hbm>> -> memref<1x80x125xi32, #tpu.memory_space<hbm>>
    %dma_wait3A_26 = tpu.memref_squeeze %dma_wait3A_25 : memref<1x80x125xi32, #tpu.memory_space<hbm>> -> memref<80x125xi32, #tpu.memory_space<hbm>>
    %dma_wait3A_27 = arith.constant 0 : i32
    %dma_wait3A_28 = arith.constant 0 : i32
    %dma_wait3A_29 = tpu.memref_slice %arg6[%add3A, %dma_wait3A_27, %dma_wait3A_28] : memref<32x80x125xi32, #tpu.memory_space<hbm>> -> memref<1x80x125xi32, #tpu.memory_space<hbm>>
    %dma_wait3A_30 = tpu.memref_squeeze %dma_wait3A_29 : memref<1x80x125xi32, #tpu.memory_space<hbm>> -> memref<80x125xi32, #tpu.memory_space<hbm>>
    tpu.wait_dma2 semaphore(%arg22 : memref<!tpu.dma_semaphore, #tpu.memory_space<semaphore_mem>>) src(%dma_wait3A_30 : memref<80x125xi32, #tpu.memory_space<hbm>>) dst(%arg11 : memref<80x125xi32, #tpu.memory_space<vmem>>)
    tpu.wait_dma2 semaphore(%arg22 : memref<!tpu.dma_semaphore, #tpu.memory_space<semaphore_mem>>) src(%arg8 : memref<125x40xf32, #tpu.memory_space<hbm>>) dst(%arg18 : memref<125x40xf32, #tpu.memory_space<vmem>>)
    tpu.wait_dma2 semaphore(%arg22 : memref<!tpu.dma_semaphore, #tpu.memory_space<semaphore_mem>>) src(%arg8 : memref<125x40xf32, #tpu.memory_space<hbm>>) dst(%arg19 : memref<125x40xf32, #tpu.memory_space<vmem>>)
    tpu.wait_dma2 semaphore(%arg22 : memref<!tpu.dma_semaphore, #tpu.memory_space<semaphore_mem>>) src(%arg7 : memref<625x40xf32, #tpu.memory_space<hbm>>) dst(%arg20 : memref<625x40xf32, #tpu.memory_space<vmem>>)
    %mul3A_31 = arith.constant 625 : i32
    %mul3A_32 = arith.muli %arg1, %mul3A_31 : i32
    %jit3A = arith.constant 8 : i32
    %div3A = arith.divsi %add3A, %jit3A : i32
    %sign3A = arith.constant 0 : i32
    %sign3A_33 = arith.cmpi sgt, %add3A, %sign3A : i32
    %sign3A_34 = arith.extui %sign3A_33 : i1 to i32
    %sign3A_35 = arith.constant 0 : i32
    %sign3A_36 = arith.cmpi slt, %add3A, %sign3A_35 : i32
    %sign3A_37 = arith.extui %sign3A_36 : i1 to i32
    %sign3A_38 = arith.subi %sign3A_34, %sign3A_37 : i32
    %sign3A_39 = arith.constant 0 : i32
    %sign3A_40 = arith.cmpi sgt, %jit3A, %sign3A_39 : i32
    %sign3A_41 = arith.extui %sign3A_40 : i1 to i32
    %sign3A_42 = arith.constant 0 : i32
    %sign3A_43 = arith.cmpi slt, %jit3A, %sign3A_42 : i32
    %sign3A_44 = arith.extui %sign3A_43 : i1 to i32
    %sign3A_45 = arith.subi %sign3A_41, %sign3A_44 : i32
    %ne3A = arith.cmpi ne, %sign3A_38, %sign3A_45 : i32
    %rem3A = arith.remsi %add3A, %jit3A : i32
    %ne3A_46 = arith.constant 0 : i32
    %ne3A_47 = arith.cmpi ne, %rem3A, %ne3A_46 : i32
    %and3A = arith.andi %ne3A, %ne3A_47 : i1
    %sub3A = arith.constant 1 : i32
    %sub3A_48 = arith.subi %div3A, %sub3A : i32
    %select_n3A = arith.select %and3A, %sub3A_48, %div3A : i32
    %mul3A_49 = arith.constant 32 : i32
    %mul3A_50 = arith.muli %select_n3A, %mul3A_49 : i32
    %jit3A_51 = arith.constant 8 : i32
    %eq3A = arith.constant 0 : i32
    %eq3A_52 = arith.cmpi eq, %jit3A_51, %eq3A : i32
    %jit3A_53 = arith.constant 1 : i32
    %select_n3A_54 = arith.select %eq3A_52, %jit3A_53, %jit3A_51 : i32
    %rem3A_55 = arith.remsi %add3A, %select_n3A_54 : i32
    %ne3A_56 = arith.constant 0 : i32
    %ne3A_57 = arith.cmpi ne, %rem3A_55, %ne3A_56 : i32
    %lt3A = arith.constant 0 : i32
    %lt3A_58 = arith.cmpi slt, %rem3A_55, %lt3A : i32
    %lt3A_59 = arith.constant 0 : i32
    %lt3A_60 = arith.cmpi slt, %select_n3A_54, %lt3A_59 : i32
    %ne3A_61 = arith.xori %lt3A_58, %lt3A_60 : i1
    %and3A_62 = arith.andi %ne3A_61, %ne3A_57 : i1
    %add3A_63 = arith.addi %rem3A_55, %select_n3A_54 : i32
    %select_n3A_64 = arith.select %and3A_62, %add3A_63, %rem3A_55 : i32
    %mul3A_65 = arith.constant 10000 : i32
    %mul3A_66 = arith.muli %select_n3A_64, %mul3A_65 : i32
    "tpu.region"() ({
      %run_scoped3A = tpu.sem_alloc : memref<!tpu.dma_semaphore, #tpu.memory_space<semaphore_mem>>
      %dma_start3A_91 = arith.constant 0 : i32
      %dma_start3A_92 = tpu.memref_slice %arg21[%mul3A_32, %dma_start3A_91] : memref<10000x40xf32, #tpu.memory_space<vmem_shared>> -> memref<625x40xf32, #tpu.memory_space<vmem_shared>>
      %dma_start3A_93 = arith.constant 0 : i32
      %dma_start3A_94 = tpu.memref_slice %arg21[%mul3A_32, %dma_start3A_93] : memref<10000x40xf32, #tpu.memory_space<vmem_shared>> -> memref<625x40xf32, #tpu.memory_space<vmem_shared>>
      tpu.enqueue_dma source(%arg20 : memref<625x40xf32, #tpu.memory_space<vmem>>) target(%dma_start3A_94 : memref<625x40xf32, #tpu.memory_space<vmem_shared>>) target_semaphore(%run_scoped3A : memref<!tpu.dma_semaphore, #tpu.memory_space<semaphore_mem>>)
      %dma_wait3A_95 = arith.constant 0 : i32
      %dma_wait3A_96 = tpu.memref_slice %arg21[%mul3A_32, %dma_wait3A_95] : memref<10000x40xf32, #tpu.memory_space<vmem_shared>> -> memref<625x40xf32, #tpu.memory_space<vmem_shared>>
      %dma_wait3A_97 = arith.constant 0 : i32
      %dma_wait3A_98 = tpu.memref_slice %arg21[%mul3A_32, %dma_wait3A_97] : memref<10000x40xf32, #tpu.memory_space<vmem_shared>> -> memref<625x40xf32, #tpu.memory_space<vmem_shared>>
      tpu.wait_dma2 semaphore(%run_scoped3A : memref<!tpu.dma_semaphore, #tpu.memory_space<semaphore_mem>>) src(%arg20 : memref<625x40xf32, #tpu.memory_space<vmem>>) dst(%dma_wait3A_98 : memref<625x40xf32, #tpu.memory_space<vmem_shared>>)
      tpu.yield
    }) : () -> ()
    %barrier3A = arith.constant 0 : index
    tpu.barrier barrier_id(%barrier3A)
    %dma_start3A_67 = arith.constant 0 : i32
    %dma_start3A_68 = arith.constant 0 : i32
    %dma_start3A_69 = tpu.memref_slice %arg10[%dma_start3A_67, %dma_start3A_68] : memref<80x125xi32, #tpu.memory_space<vmem>> -> memref<1x125xi32, #tpu.memory_space<vmem>>
    %dma_start3A_70 = tpu.memref_squeeze %dma_start3A_69 : memref<1x125xi32, #tpu.memory_space<vmem>> -> memref<125xi32, #tpu.memory_space<vmem>>
    %dma_start3A_71 = arith.constant 0 : i32
    %dma_start3A_72 = arith.constant 0 : i32
    %dma_start3A_73 = tpu.memref_slice %arg2[%dma_start3A_71, %dma_start3A_72] : memref<10000x32xf32, #tpu.memory_space<hbm>> -> memref<10000x32xf32, #tpu.memory_space<hbm>>
    tpu.enqueue_indirect_dma source(%dma_start3A_73 : memref<10000x32xf32, #tpu.memory_space<hbm>>) target(%arg12 : memref<125x32xf32, #tpu.memory_space<vmem>>) offsets(%dma_start3A_70 : memref<125xi32, #tpu.memory_space<vmem>>) semaphore(%arg22 : memref<!tpu.dma_semaphore, #tpu.memory_space<semaphore_mem>>)
    %dma_start3A_74 = arith.constant 0 : i32
    %dma_start3A_75 = arith.constant 0 : i32
    %dma_start3A_76 = tpu.memref_slice %arg11[%dma_start3A_74, %dma_start3A_75] : memref<80x125xi32, #tpu.memory_space<vmem>> -> memref<1x125xi32, #tpu.memory_space<vmem>>
    %dma_start3A_77 = tpu.memref_squeeze %dma_start3A_76 : memref<1x125xi32, #tpu.memory_space<vmem>> -> memref<125xi32, #tpu.memory_space<vmem>>
    %dma_start3A_78 = arith.constant 0 : i32
    %dma_start3A_79 = arith.constant 0 : i32
    %dma_start3A_80 = tpu.memref_slice %arg3[%dma_start3A_78, %dma_start3A_79] : memref<10000x32xf32, #tpu.memory_space<hbm>> -> memref<10000x32xf32, #tpu.memory_space<hbm>>
    tpu.enqueue_indirect_dma source(%dma_start3A_80 : memref<10000x32xf32, #tpu.memory_space<hbm>>) target(%arg14 : memref<125x32xf32, #tpu.memory_space<vmem>>) offsets(%dma_start3A_77 : memref<125xi32, #tpu.memory_space<vmem>>) semaphore(%arg22 : memref<!tpu.dma_semaphore, #tpu.memory_space<semaphore_mem>>)
    %add3A_81 = arith.constant 0 : i32
    %add3A_82 = arith.addi %mul3A_66, %add3A_81 : i32
    %dma_start3A_83 = tpu.memref_slice %arg4[%add3A_82, %mul3A_50] : memref<80000x128xf32, #tpu.memory_space<hbm>> -> memref<125x32xf32, #tpu.memory_space<hbm>>
    %dma_start3A_84 = tpu.memref_slice %arg4[%add3A_82, %mul3A_50] : memref<80000x128xf32, #tpu.memory_space<hbm>> -> memref<125x32xf32, #tpu.memory_space<hbm>>
    tpu.enqueue_dma source(%dma_start3A_84 : memref<125x32xf32, #tpu.memory_space<hbm>>) target(%arg16 : memref<125x32xf32, #tpu.memory_space<vmem>>) target_semaphore(%arg22 : memref<!tpu.dma_semaphore, #tpu.memory_space<semaphore_mem>>)
    %scan3A = arith.constant 0 : i32
    %scan3A_85 = arith.constant 0 : i32
    %scan3A_86 = arith.constant 40 : i32
    %scan3A_87 = arith.addi %scan3A_85, %scan3A_86 : i32
    %scan3A_88 = arith.constant 1 : i32
    scf.for %scan3A_91 = %scan3A_85 to %scan3A_87 step %scan3A_88  : i32 {
      %mul3A_92 = arith.constant 2 : i32
      %mul3A_93 = arith.muli %mul3A_92, %scan3A_91 : i32
      %add3A_94 = arith.constant 0 : i32
      %add3A_95 = arith.addi %mul3A_93, %add3A_94 : i32
      %lt3A_96 = arith.constant 80 : i32
      %lt3A_97 = arith.cmpi slt, %add3A_95, %lt3A_96 : i32
      %convert_element_type3A = arith.extui %lt3A_97 : i1 to i32
      %cond3A = arith.constant 0 : i32
      %cond3A_98 = arith.cmpi ne, %convert_element_type3A, %cond3A : i32
      scf.if %cond3A_98 {
        %add3A_108 = arith.constant 1 : i32
        %add3A_109 = arith.addi %add3A_95, %add3A_108 : i32
        %lt3A_110 = arith.constant 80 : i32
        %lt3A_111 = arith.cmpi slt, %add3A_109, %lt3A_110 : i32
        %convert_element_type3A_112 = arith.extui %lt3A_111 : i1 to i32
        %cond3A_113 = arith.constant 0 : i32
        %cond3A_114 = arith.cmpi ne, %convert_element_type3A_112, %cond3A_113 : i32
        scf.if %cond3A_114 {
          %add3A_145 = arith.constant 1 : i32
          %add3A_146 = arith.addi %add3A_95, %add3A_145 : i32
          %dma_start3A_147 = arith.constant 0 : i32
          %dma_start3A_148 = tpu.memref_slice %arg10[%add3A_146, %dma_start3A_147] : memref<80x125xi32, #tpu.memory_space<vmem>> -> memref<1x125xi32, #tpu.memory_space<vmem>>
          %dma_start3A_149 = tpu.memref_squeeze %dma_start3A_148 : memref<1x125xi32, #tpu.memory_space<vmem>> -> memref<125xi32, #tpu.memory_space<vmem>>
          %dma_start3A_150 = arith.constant 0 : i32
          %dma_start3A_151 = arith.constant 0 : i32
          %dma_start3A_152 = tpu.memref_slice %arg2[%dma_start3A_150, %dma_start3A_151] : memref<10000x32xf32, #tpu.memory_space<hbm>> -> memref<10000x32xf32, #tpu.memory_space<hbm>>
          tpu.enqueue_indirect_dma source(%dma_start3A_152 : memref<10000x32xf32, #tpu.memory_space<hbm>>) target(%arg13 : memref<125x32xf32, #tpu.memory_space<vmem>>) offsets(%dma_start3A_149 : memref<125xi32, #tpu.memory_space<vmem>>) semaphore(%arg23 : memref<!tpu.dma_semaphore, #tpu.memory_space<semaphore_mem>>)
          %dma_start3A_153 = arith.constant 0 : i32
          %dma_start3A_154 = tpu.memref_slice %arg11[%add3A_146, %dma_start3A_153] : memref<80x125xi32, #tpu.memory_space<vmem>> -> memref<1x125xi32, #tpu.memory_space<vmem>>
          %dma_start3A_155 = tpu.memref_squeeze %dma_start3A_154 : memref<1x125xi32, #tpu.memory_space<vmem>> -> memref<125xi32, #tpu.memory_space<vmem>>
          %dma_start3A_156 = arith.constant 0 : i32
          %dma_start3A_157 = arith.constant 0 : i32
          %dma_start3A_158 = tpu.memref_slice %arg3[%dma_start3A_156, %dma_start3A_157] : memref<10000x32xf32, #tpu.memory_space<hbm>> -> memref<10000x32xf32, #tpu.memory_space<hbm>>
          tpu.enqueue_indirect_dma source(%dma_start3A_158 : memref<10000x32xf32, #tpu.memory_space<hbm>>) target(%arg15 : memref<125x32xf32, #tpu.memory_space<vmem>>) offsets(%dma_start3A_155 : memref<125xi32, #tpu.memory_space<vmem>>) semaphore(%arg23 : memref<!tpu.dma_semaphore, #tpu.memory_space<semaphore_mem>>)
          %mul3A_159 = arith.constant 125 : i32
          %mul3A_160 = arith.muli %add3A_146, %mul3A_159 : i32
          %add3A_161 = arith.addi %mul3A_66, %mul3A_160 : i32
          %dma_start3A_162 = tpu.memref_slice %arg4[%add3A_161, %mul3A_50] : memref<80000x128xf32, #tpu.memory_space<hbm>> -> memref<125x32xf32, #tpu.memory_space<hbm>>
          %dma_start3A_163 = tpu.memref_slice %arg4[%add3A_161, %mul3A_50] : memref<80000x128xf32, #tpu.memory_space<hbm>> -> memref<125x32xf32, #tpu.memory_space<hbm>>
          tpu.enqueue_dma source(%dma_start3A_163 : memref<125x32xf32, #tpu.memory_space<hbm>>) target(%arg17 : memref<125x32xf32, #tpu.memory_space<vmem>>) target_semaphore(%arg23 : memref<!tpu.dma_semaphore, #tpu.memory_space<semaphore_mem>>)
        } else {
        }
        %dma_wait3A_115 = arith.constant 0 : i32
        %dma_wait3A_116 = arith.constant 0 : i32
        %dma_wait3A_117 = tpu.memref_slice %arg2[%dma_wait3A_115, %dma_wait3A_116] : memref<10000x32xf32, #tpu.memory_space<hbm>> -> memref<125x32xf32, #tpu.memory_space<hbm>>
        %dma_wait3A_118 = arith.constant 0 : i32
        %dma_wait3A_119 = arith.constant 0 : i32
        %dma_wait3A_120 = tpu.memref_slice %arg2[%dma_wait3A_118, %dma_wait3A_119] : memref<10000x32xf32, #tpu.memory_space<hbm>> -> memref<125x32xf32, #tpu.memory_space<hbm>>
        tpu.wait_dma2 semaphore(%arg22 : memref<!tpu.dma_semaphore, #tpu.memory_space<semaphore_mem>>) src(%dma_wait3A_120 : memref<125x32xf32, #tpu.memory_space<hbm>>) dst(%arg12 : memref<125x32xf32, #tpu.memory_space<vmem>>)
        %dma_wait3A_121 = arith.constant 0 : i32
        %dma_wait3A_122 = arith.constant 0 : i32
        %dma_wait3A_123 = tpu.memref_slice %arg2[%dma_wait3A_121, %dma_wait3A_122] : memref<10000x32xf32, #tpu.memory_space<hbm>> -> memref<125x32xf32, #tpu.memory_space<hbm>>
        %dma_wait3A_124 = arith.constant 0 : i32
        %dma_wait3A_125 = arith.constant 0 : i32
        %dma_wait3A_126 = tpu.memref_slice %arg2[%dma_wait3A_124, %dma_wait3A_125] : memref<10000x32xf32, #tpu.memory_space<hbm>> -> memref<125x32xf32, #tpu.memory_space<hbm>>
        tpu.wait_dma2 semaphore(%arg22 : memref<!tpu.dma_semaphore, #tpu.memory_space<semaphore_mem>>) src(%dma_wait3A_126 : memref<125x32xf32, #tpu.memory_space<hbm>>) dst(%arg14 : memref<125x32xf32, #tpu.memory_space<vmem>>)
        %dma_wait3A_127 = arith.constant 0 : i32
        %dma_wait3A_128 = arith.constant 0 : i32
        %dma_wait3A_129 = tpu.memref_slice %arg4[%dma_wait3A_127, %dma_wait3A_128] : memref<80000x128xf32, #tpu.memory_space<hbm>> -> memref<125x32xf32, #tpu.memory_space<hbm>>
        %dma_wait3A_130 = arith.constant 0 : i32
        %dma_wait3A_131 = arith.constant 0 : i32
        %dma_wait3A_132 = tpu.memref_slice %arg4[%dma_wait3A_130, %dma_wait3A_131] : memref<80000x128xf32, #tpu.memory_space<hbm>> -> memref<125x32xf32, #tpu.memory_space<hbm>>
        tpu.wait_dma2 semaphore(%arg22 : memref<!tpu.dma_semaphore, #tpu.memory_space<semaphore_mem>>) src(%dma_wait3A_132 : memref<125x32xf32, #tpu.memory_space<hbm>>) dst(%arg16 : memref<125x32xf32, #tpu.memory_space<vmem>>)
        %ge3A = arith.constant 2 : i32
        %ge3A_133 = arith.cmpi sge, %add3A_95, %ge3A : i32
        %convert_element_type3A_134 = arith.extui %ge3A_133 : i1 to i32
        %cond3A_135 = arith.constant 0 : i32
        %cond3A_136 = arith.cmpi ne, %convert_element_type3A_134, %cond3A_135 : i32
        scf.if %cond3A_136 {
          tpu.wait_dma2 semaphore(%arg24 : memref<!tpu.dma_semaphore, #tpu.memory_space<semaphore_mem>>) src(%arg8 : memref<125x40xf32, #tpu.memory_space<hbm>>) dst(%arg18 : memref<125x40xf32, #tpu.memory_space<vmem>>)
        } else {
        }
        %parallel_loop3A = arith.constant 0 : i32
        %parallel_loop3A_137 = arith.constant 125 : i32
        %parallel_loop3A_138 = arith.constant 1 : i32
        scf.for %parallel_loop3A_145 = %parallel_loop3A to %parallel_loop3A_137 step %parallel_loop3A_138  : i32 {
          %parallel_loop3A_146 = arith.index_cast %parallel_loop3A_145 : i32 to index
          %parallel_loop3A_147 = arith.constant 0 : index
          %parallel_loop3A_148 = tpu.vector_load %arg12[%parallel_loop3A_146, %parallel_loop3A_147] {strides = array<i32>} : memref<125x32xf32, #tpu.memory_space<vmem>>, vector<1x16xf32>,
          %parallel_loop3A_149 = vector.shape_cast %parallel_loop3A_148 : vector<1x16xf32> to vector<16xf32>
          %parallel_loop3A_150 = arith.index_cast %parallel_loop3A_145 : i32 to index
          %parallel_loop3A_151 = arith.constant 0 : index
          %parallel_loop3A_152 = tpu.vector_load %arg14[%parallel_loop3A_150, %parallel_loop3A_151] {strides = array<i32>} : memref<125x32xf32, #tpu.memory_space<vmem>>, vector<1x16xf32>,
          %parallel_loop3A_153 = vector.shape_cast %parallel_loop3A_152 : vector<1x16xf32> to vector<16xf32>
          %parallel_loop3A_154 = arith.addf %parallel_loop3A_149, %parallel_loop3A_153 : vector<16xf32>
          %parallel_loop3A_155 = arith.index_cast %parallel_loop3A_145 : i32 to index
          %parallel_loop3A_156 = arith.constant 0 : index
          %parallel_loop3A_157 = tpu.vector_load %arg16[%parallel_loop3A_155, %parallel_loop3A_156] {strides = array<i32>} : memref<125x32xf32, #tpu.memory_space<vmem>>, vector<1x16xf32>,
          %parallel_loop3A_158 = vector.shape_cast %parallel_loop3A_157 : vector<1x16xf32> to vector<16xf32>
          %parallel_loop3A_159 = arith.addf %parallel_loop3A_154, %parallel_loop3A_158 : vector<16xf32>
          %parallel_loop3A_160 = arith.constant 0.000000e+00 : f32
          %parallel_loop3A_161 = vector.broadcast %parallel_loop3A_160 : f32 to vector<16xf32>
          %parallel_loop3A_162 = arith.maximumf %parallel_loop3A_159, %parallel_loop3A_161 : vector<16xf32>
          %parallel_loop3A_163 = arith.index_cast %parallel_loop3A_145 : i32 to index
          %parallel_loop3A_164 = arith.constant 0 : index
          %parallel_loop3A_165 = tpu.vector_load %arg18[%parallel_loop3A_163, %parallel_loop3A_164] {strides = array<i32>} : memref<125x40xf32, #tpu.memory_space<vmem>>, vector<1x16xf32>,
          %parallel_loop3A_166 = vector.shape_cast %parallel_loop3A_165 : vector<1x16xf32> to vector<16xf32>
          %parallel_loop3A_167 = vector.shape_cast %parallel_loop3A_162 : vector<16xf32> to vector<1x16xf32>
          tpu.vector_store %arg18[%parallel_loop3A_163, %parallel_loop3A_164], %parallel_loop3A_167 {strides = array<i32>} : memref<125x40xf32, #tpu.memory_space<vmem>>, vector<1x16xf32>,
          %parallel_loop3A_168 = arith.index_cast %parallel_loop3A_145 : i32 to index
          %parallel_loop3A_169 = arith.constant 16 : index
          %parallel_loop3A_170 = tpu.vector_load %arg12[%parallel_loop3A_168, %parallel_loop3A_169] {strides = array<i32>} : memref<125x32xf32, #tpu.memory_space<vmem>>, vector<1x16xf32>,
          %parallel_loop3A_171 = vector.shape_cast %parallel_loop3A_170 : vector<1x16xf32> to vector<16xf32>
          %parallel_loop3A_172 = arith.index_cast %parallel_loop3A_145 : i32 to index
          %parallel_loop3A_173 = arith.constant 16 : index
          %parallel_loop3A_174 = tpu.vector_load %arg14[%parallel_loop3A_172, %parallel_loop3A_173] {strides = array<i32>} : memref<125x32xf32, #tpu.memory_space<vmem>>, vector<1x16xf32>,
          %parallel_loop3A_175 = vector.shape_cast %parallel_loop3A_174 : vector<1x16xf32> to vector<16xf32>
          %parallel_loop3A_176 = arith.addf %parallel_loop3A_171, %parallel_loop3A_175 : vector<16xf32>
          %parallel_loop3A_177 = arith.index_cast %parallel_loop3A_145 : i32 to index
          %parallel_loop3A_178 = arith.constant 16 : index
          %parallel_loop3A_179 = tpu.vector_load %arg16[%parallel_loop3A_177, %parallel_loop3A_178] {strides = array<i32>} : memref<125x32xf32, #tpu.memory_space<vmem>>, vector<1x16xf32>,
          %parallel_loop3A_180 = vector.shape_cast %parallel_loop3A_179 : vector<1x16xf32> to vector<16xf32>
          %parallel_loop3A_181 = arith.addf %parallel_loop3A_176, %parallel_loop3A_180 : vector<16xf32>
          %parallel_loop3A_182 = arith.constant 0.000000e+00 : f32
          %parallel_loop3A_183 = vector.broadcast %parallel_loop3A_182 : f32 to vector<16xf32>
          %parallel_loop3A_184 = arith.maximumf %parallel_loop3A_181, %parallel_loop3A_183 : vector<16xf32>
          %parallel_loop3A_185 = arith.index_cast %parallel_loop3A_145 : i32 to index
          %parallel_loop3A_186 = arith.constant 16 : index
          %parallel_loop3A_187 = tpu.vector_load %arg18[%parallel_loop3A_185, %parallel_loop3A_186] {strides = array<i32>} : memref<125x40xf32, #tpu.memory_space<vmem>>, vector<1x16xf32>,
          %parallel_loop3A_188 = vector.shape_cast %parallel_loop3A_187 : vector<1x16xf32> to vector<16xf32>
          %parallel_loop3A_189 = vector.shape_cast %parallel_loop3A_184 : vector<16xf32> to vector<1x16xf32>
          tpu.vector_store %arg18[%parallel_loop3A_185, %parallel_loop3A_186], %parallel_loop3A_189 {strides = array<i32>} : memref<125x40xf32, #tpu.memory_space<vmem>>, vector<1x16xf32>,
        } {sc.loop_unroll_factor = 5 : i64, sc.parallel_access}
        %dma_start3A_139 = arith.constant 0 : i32
        %dma_start3A_140 = tpu.memref_slice %arg10[%add3A_95, %dma_start3A_139] : memref<80x125xi32, #tpu.memory_space<vmem>> -> memref<1x125xi32, #tpu.memory_space<vmem>>
        %dma_start3A_141 = tpu.memref_squeeze %dma_start3A_140 : memref<1x125xi32, #tpu.memory_space<vmem>> -> memref<125xi32, #tpu.memory_space<vmem>>
        %dma_start3A_142 = arith.constant 0 : i32
        %dma_start3A_143 = arith.constant 0 : i32
        %dma_start3A_144 = tpu.memref_slice %arg21[%dma_start3A_142, %dma_start3A_143] : memref<10000x40xf32, #tpu.memory_space<vmem_shared>> -> memref<10000x40xf32, #tpu.memory_space<vmem_shared>>
        tpu.enqueue_indirect_dma source(%arg18 : memref<125x40xf32, #tpu.memory_space<vmem>>) target(%dma_start3A_144 : memref<10000x40xf32, #tpu.memory_space<vmem_shared>>) offsets(%dma_start3A_141 : memref<125xi32, #tpu.memory_space<vmem>>) semaphore(%arg24 : memref<!tpu.dma_semaphore, #tpu.memory_space<semaphore_mem>>) {add = true}
      } else {
      }
      %mul3A_99 = arith.constant 2 : i32
      %mul3A_100 = arith.muli %mul3A_99, %scan3A_91 : i32
      %add3A_101 = arith.constant 1 : i32
      %add3A_102 = arith.addi %mul3A_100, %add3A_101 : i32
      %lt3A_103 = arith.constant 80 : i32
      %lt3A_104 = arith.cmpi slt, %add3A_102, %lt3A_103 : i32
      %convert_element_type3A_105 = arith.extui %lt3A_104 : i1 to i32
      %cond3A_106 = arith.constant 0 : i32
      %cond3A_107 = arith.cmpi ne, %convert_element_type3A_105, %cond3A_106 : i32
      scf.if %cond3A_107 {
        %add3A_108 = arith.constant 1 : i32
        %add3A_109 = arith.addi %add3A_102, %add3A_108 : i32
        %lt3A_110 = arith.constant 80 : i32
        %lt3A_111 = arith.cmpi slt, %add3A_109, %lt3A_110 : i32
        %convert_element_type3A_112 = arith.extui %lt3A_111 : i1 to i32
        %cond3A_113 = arith.constant 0 : i32
        %cond3A_114 = arith.cmpi ne, %convert_element_type3A_112, %cond3A_113 : i32
        scf.if %cond3A_114 {
          %add3A_145 = arith.constant 1 : i32
          %add3A_146 = arith.addi %add3A_102, %add3A_145 : i32
          %dma_start3A_147 = arith.constant 0 : i32
          %dma_start3A_148 = tpu.memref_slice %arg10[%add3A_146, %dma_start3A_147] : memref<80x125xi32, #tpu.memory_space<vmem>> -> memref<1x125xi32, #tpu.memory_space<vmem>>
          %dma_start3A_149 = tpu.memref_squeeze %dma_start3A_148 : memref<1x125xi32, #tpu.memory_space<vmem>> -> memref<125xi32, #tpu.memory_space<vmem>>
          %dma_start3A_150 = arith.constant 0 : i32
          %dma_start3A_151 = arith.constant 0 : i32
          %dma_start3A_152 = tpu.memref_slice %arg2[%dma_start3A_150, %dma_start3A_151] : memref<10000x32xf32, #tpu.memory_space<hbm>> -> memref<10000x32xf32, #tpu.memory_space<hbm>>
          tpu.enqueue_indirect_dma source(%dma_start3A_152 : memref<10000x32xf32, #tpu.memory_space<hbm>>) target(%arg12 : memref<125x32xf32, #tpu.memory_space<vmem>>) offsets(%dma_start3A_149 : memref<125xi32, #tpu.memory_space<vmem>>) semaphore(%arg22 : memref<!tpu.dma_semaphore, #tpu.memory_space<semaphore_mem>>)
          %dma_start3A_153 = arith.constant 0 : i32
          %dma_start3A_154 = tpu.memref_slice %arg11[%add3A_146, %dma_start3A_153] : memref<80x125xi32, #tpu.memory_space<vmem>> -> memref<1x125xi32, #tpu.memory_space<vmem>>
          %dma_start3A_155 = tpu.memref_squeeze %dma_start3A_154 : memref<1x125xi32, #tpu.memory_space<vmem>> -> memref<125xi32, #tpu.memory_space<vmem>>
          %dma_start3A_156 = arith.constant 0 : i32
          %dma_start3A_157 = arith.constant 0 : i32
          %dma_start3A_158 = tpu.memref_slice %arg3[%dma_start3A_156, %dma_start3A_157] : memref<10000x32xf32, #tpu.memory_space<hbm>> -> memref<10000x32xf32, #tpu.memory_space<hbm>>
          tpu.enqueue_indirect_dma source(%dma_start3A_158 : memref<10000x32xf32, #tpu.memory_space<hbm>>) target(%arg14 : memref<125x32xf32, #tpu.memory_space<vmem>>) offsets(%dma_start3A_155 : memref<125xi32, #tpu.memory_space<vmem>>) semaphore(%arg22 : memref<!tpu.dma_semaphore, #tpu.memory_space<semaphore_mem>>)
          %mul3A_159 = arith.constant 125 : i32
          %mul3A_160 = arith.muli %add3A_146, %mul3A_159 : i32
          %add3A_161 = arith.addi %mul3A_66, %mul3A_160 : i32
          %dma_start3A_162 = tpu.memref_slice %arg4[%add3A_161, %mul3A_50] : memref<80000x128xf32, #tpu.memory_space<hbm>> -> memref<125x32xf32, #tpu.memory_space<hbm>>
          %dma_start3A_163 = tpu.memref_slice %arg4[%add3A_161, %mul3A_50] : memref<80000x128xf32, #tpu.memory_space<hbm>> -> memref<125x32xf32, #tpu.memory_space<hbm>>
          tpu.enqueue_dma source(%dma_start3A_163 : memref<125x32xf32, #tpu.memory_space<hbm>>) target(%arg16 : memref<125x32xf32, #tpu.memory_space<vmem>>) target_semaphore(%arg22 : memref<!tpu.dma_semaphore, #tpu.memory_space<semaphore_mem>>)
        } else {
        }
        %dma_wait3A_115 = arith.constant 0 : i32
        %dma_wait3A_116 = arith.constant 0 : i32
        %dma_wait3A_117 = tpu.memref_slice %arg2[%dma_wait3A_115, %dma_wait3A_116] : memref<10000x32xf32, #tpu.memory_space<hbm>> -> memref<125x32xf32, #tpu.memory_space<hbm>>
        %dma_wait3A_118 = arith.constant 0 : i32
        %dma_wait3A_119 = arith.constant 0 : i32
        %dma_wait3A_120 = tpu.memref_slice %arg2[%dma_wait3A_118, %dma_wait3A_119] : memref<10000x32xf32, #tpu.memory_space<hbm>> -> memref<125x32xf32, #tpu.memory_space<hbm>>
        tpu.wait_dma2 semaphore(%arg23 : memref<!tpu.dma_semaphore, #tpu.memory_space<semaphore_mem>>) src(%dma_wait3A_120 : memref<125x32xf32, #tpu.memory_space<hbm>>) dst(%arg13 : memref<125x32xf32, #tpu.memory_space<vmem>>)
        %dma_wait3A_121 = arith.constant 0 : i32
        %dma_wait3A_122 = arith.constant 0 : i32
        %dma_wait3A_123 = tpu.memref_slice %arg2[%dma_wait3A_121, %dma_wait3A_122] : memref<10000x32xf32, #tpu.memory_space<hbm>> -> memref<125x32xf32, #tpu.memory_space<hbm>>
        %dma_wait3A_124 = arith.constant 0 : i32
        %dma_wait3A_125 = arith.constant 0 : i32
        %dma_wait3A_126 = tpu.memref_slice %arg2[%dma_wait3A_124, %dma_wait3A_125] : memref<10000x32xf32, #tpu.memory_space<hbm>> -> memref<125x32xf32, #tpu.memory_space<hbm>>
        tpu.wait_dma2 semaphore(%arg23 : memref<!tpu.dma_semaphore, #tpu.memory_space<semaphore_mem>>) src(%dma_wait3A_126 : memref<125x32xf32, #tpu.memory_space<hbm>>) dst(%arg15 : memref<125x32xf32, #tpu.memory_space<vmem>>)
        %dma_wait3A_127 = arith.constant 0 : i32
        %dma_wait3A_128 = arith.constant 0 : i32
        %dma_wait3A_129 = tpu.memref_slice %arg4[%dma_wait3A_127, %dma_wait3A_128] : memref<80000x128xf32, #tpu.memory_space<hbm>> -> memref<125x32xf32, #tpu.memory_space<hbm>>
        %dma_wait3A_130 = arith.constant 0 : i32
        %dma_wait3A_131 = arith.constant 0 : i32
        %dma_wait3A_132 = tpu.memref_slice %arg4[%dma_wait3A_130, %dma_wait3A_131] : memref<80000x128xf32, #tpu.memory_space<hbm>> -> memref<125x32xf32, #tpu.memory_space<hbm>>
        tpu.wait_dma2 semaphore(%arg23 : memref<!tpu.dma_semaphore, #tpu.memory_space<semaphore_mem>>) src(%dma_wait3A_132 : memref<125x32xf32, #tpu.memory_space<hbm>>) dst(%arg17 : memref<125x32xf32, #tpu.memory_space<vmem>>)
        %ge3A = arith.constant 2 : i32
        %ge3A_133 = arith.cmpi sge, %add3A_102, %ge3A : i32
        %convert_element_type3A_134 = arith.extui %ge3A_133 : i1 to i32
        %cond3A_135 = arith.constant 0 : i32
        %cond3A_136 = arith.cmpi ne, %convert_element_type3A_134, %cond3A_135 : i32
        scf.if %cond3A_136 {
          tpu.wait_dma2 semaphore(%arg25 : memref<!tpu.dma_semaphore, #tpu.memory_space<semaphore_mem>>) src(%arg8 : memref<125x40xf32, #tpu.memory_space<hbm>>) dst(%arg19 : memref<125x40xf32, #tpu.memory_space<vmem>>)
        } else {
        }
        %parallel_loop3A = arith.constant 0 : i32
        %parallel_loop3A_137 = arith.constant 125 : i32
        %parallel_loop3A_138 = arith.constant 1 : i32
        scf.for %parallel_loop3A_145 = %parallel_loop3A to %parallel_loop3A_137 step %parallel_loop3A_138  : i32 {
          %parallel_loop3A_146 = arith.index_cast %parallel_loop3A_145 : i32 to index
          %parallel_loop3A_147 = arith.constant 0 : index
          %parallel_loop3A_148 = tpu.vector_load %arg13[%parallel_loop3A_146, %parallel_loop3A_147] {strides = array<i32>} : memref<125x32xf32, #tpu.memory_space<vmem>>, vector<1x16xf32>,
          %parallel_loop3A_149 = vector.shape_cast %parallel_loop3A_148 : vector<1x16xf32> to vector<16xf32>
          %parallel_loop3A_150 = arith.index_cast %parallel_loop3A_145 : i32 to index
          %parallel_loop3A_151 = arith.constant 0 : index
          %parallel_loop3A_152 = tpu.vector_load %arg15[%parallel_loop3A_150, %parallel_loop3A_151] {strides = array<i32>} : memref<125x32xf32, #tpu.memory_space<vmem>>, vector<1x16xf32>,
          %parallel_loop3A_153 = vector.shape_cast %parallel_loop3A_152 : vector<1x16xf32> to vector<16xf32>
          %parallel_loop3A_154 = arith.addf %parallel_loop3A_149, %parallel_loop3A_153 : vector<16xf32>
          %parallel_loop3A_155 = arith.index_cast %parallel_loop3A_145 : i32 to index
          %parallel_loop3A_156 = arith.constant 0 : index
          %parallel_loop3A_157 = tpu.vector_load %arg17[%parallel_loop3A_155, %parallel_loop3A_156] {strides = array<i32>} : memref<125x32xf32, #tpu.memory_space<vmem>>, vector<1x16xf32>,
          %parallel_loop3A_158 = vector.shape_cast %parallel_loop3A_157 : vector<1x16xf32> to vector<16xf32>
          %parallel_loop3A_159 = arith.addf %parallel_loop3A_154, %parallel_loop3A_158 : vector<16xf32>
          %parallel_loop3A_160 = arith.constant 0.000000e+00 : f32
          %parallel_loop3A_161 = vector.broadcast %parallel_loop3A_160 : f32 to vector<16xf32>
          %parallel_loop3A_162 = arith.maximumf %parallel_loop3A_159, %parallel_loop3A_161 : vector<16xf32>
          %parallel_loop3A_163 = arith.index_cast %parallel_loop3A_145 : i32 to index
          %parallel_loop3A_164 = arith.constant 0 : index
          %parallel_loop3A_165 = tpu.vector_load %arg19[%parallel_loop3A_163, %parallel_loop3A_164] {strides = array<i32>} : memref<125x40xf32, #tpu.memory_space<vmem>>, vector<1x16xf32>,
          %parallel_loop3A_166 = vector.shape_cast %parallel_loop3A_165 : vector<1x16xf32> to vector<16xf32>
          %parallel_loop3A_167 = vector.shape_cast %parallel_loop3A_162 : vector<16xf32> to vector<1x16xf32>
          tpu.vector_store %arg19[%parallel_loop3A_163, %parallel_loop3A_164], %parallel_loop3A_167 {strides = array<i32>} : memref<125x40xf32, #tpu.memory_space<vmem>>, vector<1x16xf32>,
          %parallel_loop3A_168 = arith.index_cast %parallel_loop3A_145 : i32 to index
          %parallel_loop3A_169 = arith.constant 16 : index
          %parallel_loop3A_170 = tpu.vector_load %arg13[%parallel_loop3A_168, %parallel_loop3A_169] {strides = array<i32>} : memref<125x32xf32, #tpu.memory_space<vmem>>, vector<1x16xf32>,
          %parallel_loop3A_171 = vector.shape_cast %parallel_loop3A_170 : vector<1x16xf32> to vector<16xf32>
          %parallel_loop3A_172 = arith.index_cast %parallel_loop3A_145 : i32 to index
          %parallel_loop3A_173 = arith.constant 16 : index
          %parallel_loop3A_174 = tpu.vector_load %arg15[%parallel_loop3A_172, %parallel_loop3A_173] {strides = array<i32>} : memref<125x32xf32, #tpu.memory_space<vmem>>, vector<1x16xf32>,
          %parallel_loop3A_175 = vector.shape_cast %parallel_loop3A_174 : vector<1x16xf32> to vector<16xf32>
          %parallel_loop3A_176 = arith.addf %parallel_loop3A_171, %parallel_loop3A_175 : vector<16xf32>
          %parallel_loop3A_177 = arith.index_cast %parallel_loop3A_145 : i32 to index
          %parallel_loop3A_178 = arith.constant 16 : index
          %parallel_loop3A_179 = tpu.vector_load %arg17[%parallel_loop3A_177, %parallel_loop3A_178] {strides = array<i32>} : memref<125x32xf32, #tpu.memory_space<vmem>>, vector<1x16xf32>,
          %parallel_loop3A_180 = vector.shape_cast %parallel_loop3A_179 : vector<1x16xf32> to vector<16xf32>
          %parallel_loop3A_181 = arith.addf %parallel_loop3A_176, %parallel_loop3A_180 : vector<16xf32>
          %parallel_loop3A_182 = arith.constant 0.000000e+00 : f32
          %parallel_loop3A_183 = vector.broadcast %parallel_loop3A_182 : f32 to vector<16xf32>
          %parallel_loop3A_184 = arith.maximumf %parallel_loop3A_181, %parallel_loop3A_183 : vector<16xf32>
          %parallel_loop3A_185 = arith.index_cast %parallel_loop3A_145 : i32 to index
          %parallel_loop3A_186 = arith.constant 16 : index
          %parallel_loop3A_187 = tpu.vector_load %arg19[%parallel_loop3A_185, %parallel_loop3A_186] {strides = array<i32>} : memref<125x40xf32, #tpu.memory_space<vmem>>, vector<1x16xf32>,
          %parallel_loop3A_188 = vector.shape_cast %parallel_loop3A_187 : vector<1x16xf32> to vector<16xf32>
          %parallel_loop3A_189 = vector.shape_cast %parallel_loop3A_184 : vector<16xf32> to vector<1x16xf32>
          tpu.vector_store %arg19[%parallel_loop3A_185, %parallel_loop3A_186], %parallel_loop3A_189 {strides = array<i32>} : memref<125x40xf32, #tpu.memory_space<vmem>>, vector<1x16xf32>,
        } {sc.loop_unroll_factor = 5 : i64, sc.parallel_access}
        %dma_start3A_139 = arith.constant 0 : i32
        %dma_start3A_140 = tpu.memref_slice %arg10[%add3A_102, %dma_start3A_139] : memref<80x125xi32, #tpu.memory_space<vmem>> -> memref<1x125xi32, #tpu.memory_space<vmem>>
        %dma_start3A_141 = tpu.memref_squeeze %dma_start3A_140 : memref<1x125xi32, #tpu.memory_space<vmem>> -> memref<125xi32, #tpu.memory_space<vmem>>
        %dma_start3A_142 = arith.constant 0 : i32
        %dma_start3A_143 = arith.constant 0 : i32
        %dma_start3A_144 = tpu.memref_slice %arg21[%dma_start3A_142, %dma_start3A_143] : memref<10000x40xf32, #tpu.memory_space<vmem_shared>> -> memref<10000x40xf32, #tpu.memory_space<vmem_shared>>
        tpu.enqueue_indirect_dma source(%arg19 : memref<125x40xf32, #tpu.memory_space<vmem>>) target(%dma_start3A_144 : memref<10000x40xf32, #tpu.memory_space<vmem_shared>>) offsets(%dma_start3A_141 : memref<125xi32, #tpu.memory_space<vmem>>) semaphore(%arg25 : memref<!tpu.dma_semaphore, #tpu.memory_space<semaphore_mem>>) {add = true}
      } else {
      }
    }
    %scan3A_89 = arith.constant 40 : i32
    tpu.wait_dma2 semaphore(%arg24 : memref<!tpu.dma_semaphore, #tpu.memory_space<semaphore_mem>>) src(%arg8 : memref<125x40xf32, #tpu.memory_space<hbm>>) dst(%arg18 : memref<125x40xf32, #tpu.memory_space<vmem>>)
    tpu.wait_dma2 semaphore(%arg25 : memref<!tpu.dma_semaphore, #tpu.memory_space<semaphore_mem>>) src(%arg8 : memref<125x40xf32, #tpu.memory_space<hbm>>) dst(%arg19 : memref<125x40xf32, #tpu.memory_space<vmem>>)
    %barrier3A_90 = arith.constant 0 : index
    tpu.barrier barrier_id(%barrier3A_90)
    "tpu.region"() ({
      %run_scoped3A = tpu.sem_alloc : memref<!tpu.dma_semaphore, #tpu.memory_space<semaphore_mem>>
      %dma_start3A_91 = arith.constant 0 : i32
      %dma_start3A_92 = tpu.memref_slice %arg21[%mul3A_32, %dma_start3A_91] : memref<10000x40xf32, #tpu.memory_space<vmem_shared>> -> memref<625x40xf32, #tpu.memory_space<vmem_shared>>
      %dma_start3A_93 = arith.constant 0 : i32
      %dma_start3A_94 = tpu.memref_slice %arg21[%mul3A_32, %dma_start3A_93] : memref<10000x40xf32, #tpu.memory_space<vmem_shared>> -> memref<625x40xf32, #tpu.memory_space<vmem_shared>>
      tpu.enqueue_dma source(%dma_start3A_94 : memref<625x40xf32, #tpu.memory_space<vmem_shared>>) target(%arg20 : memref<625x40xf32, #tpu.memory_space<vmem>>) target_semaphore(%run_scoped3A : memref<!tpu.dma_semaphore, #tpu.memory_space<semaphore_mem>>)
      %dma_wait3A_95 = arith.constant 0 : i32
      %dma_wait3A_96 = tpu.memref_slice %arg21[%mul3A_32, %dma_wait3A_95] : memref<10000x40xf32, #tpu.memory_space<vmem_shared>> -> memref<625x40xf32, #tpu.memory_space<vmem_shared>>
      %dma_wait3A_97 = arith.constant 0 : i32
      %dma_wait3A_98 = tpu.memref_slice %arg21[%mul3A_32, %dma_wait3A_97] : memref<10000x40xf32, #tpu.memory_space<vmem_shared>> -> memref<625x40xf32, #tpu.memory_space<vmem_shared>>
      tpu.wait_dma2 semaphore(%run_scoped3A : memref<!tpu.dma_semaphore, #tpu.memory_space<semaphore_mem>>) src(%dma_wait3A_98 : memref<625x40xf32, #tpu.memory_space<vmem_shared>>) dst(%arg20 : memref<625x40xf32, #tpu.memory_space<vmem>>)
      tpu.yield
    }) : () -> ()
    "tpu.region"() ({
      %run_scoped3A = tpu.sem_alloc : memref<!tpu.dma_semaphore, #tpu.memory_space<semaphore_mem>>
      %dma_start3A_91 = arith.constant 0 : i32
      %dma_start3A_92 = arith.constant 0 : i32
      %dma_start3A_93 = tpu.memref_slice %arg9[%arg0, %arg1, %dma_start3A_91, %dma_start3A_92] : memref<2x16x625x40xf32, #tpu.memory_space<hbm>> -> memref<1x1x625x40xf32, #tpu.memory_space<hbm>>
      %dma_start3A_94 = tpu.memref_squeeze %dma_start3A_93 : memref<1x1x625x40xf32, #tpu.memory_space<hbm>> -> memref<625x40xf32, #tpu.memory_space<hbm>>
      %dma_start3A_95 = arith.constant 0 : i32
      %dma_start3A_96 = arith.constant 0 : i32
      %dma_start3A_97 = tpu.memref_slice %arg9[%arg0, %arg1, %dma_start3A_95, %dma_start3A_96] : memref<2x16x625x40xf32, #tpu.memory_space<hbm>> -> memref<1x1x625x40xf32, #tpu.memory_space<hbm>>
      %dma_start3A_98 = tpu.memref_squeeze %dma_start3A_97 : memref<1x1x625x40xf32, #tpu.memory_space<hbm>> -> memref<625x40xf32, #tpu.memory_space<hbm>>
      tpu.enqueue_dma source(%arg20 : memref<625x40xf32, #tpu.memory_space<vmem>>) target(%dma_start3A_98 : memref<625x40xf32, #tpu.memory_space<hbm>>) target_semaphore(%run_scoped3A : memref<!tpu.dma_semaphore, #tpu.memory_space<semaphore_mem>>)
      %dma_wait3A_99 = arith.constant 0 : i32
      %dma_wait3A_100 = arith.constant 0 : i32
      %dma_wait3A_101 = tpu.memref_slice %arg9[%arg0, %arg1, %dma_wait3A_99, %dma_wait3A_100] : memref<2x16x625x40xf32, #tpu.memory_space<hbm>> -> memref<1x1x625x40xf32, #tpu.memory_space<hbm>>
      %dma_wait3A_102 = tpu.memref_squeeze %dma_wait3A_101 : memref<1x1x625x40xf32, #tpu.memory_space<hbm>> -> memref<625x40xf32, #tpu.memory_space<hbm>>
      %dma_wait3A_103 = arith.constant 0 : i32
      %dma_wait3A_104 = arith.constant 0 : i32
      %dma_wait3A_105 = tpu.memref_slice %arg9[%arg0, %arg1, %dma_wait3A_103, %dma_wait3A_104] : memref<2x16x625x40xf32, #tpu.memory_space<hbm>> -> memref<1x1x625x40xf32, #tpu.memory_space<hbm>>
      %dma_wait3A_106 = tpu.memref_squeeze %dma_wait3A_105 : memref<1x1x625x40xf32, #tpu.memory_space<hbm>> -> memref<625x40xf32, #tpu.memory_space<hbm>>
      tpu.wait_dma2 semaphore(%run_scoped3A : memref<!tpu.dma_semaphore, #tpu.memory_space<semaphore_mem>>) src(%arg20 : memref<625x40xf32, #tpu.memory_space<vmem>>) dst(%dma_wait3A_106 : memref<625x40xf32, #tpu.memory_space<hbm>>)
      tpu.yield
    }) : () -> ()
    return
  }
}

module attributes {stable_mosaic.version = 14 : i64} {
  func.func @_front_body(%arg0: i32, %arg1: memref<2500x512xf32, #tpu.memory_space<vmem>>, %arg2: memref<512x128xf32, #tpu.memory_space<vmem>>, %arg3: memref<512x128xf32, #tpu.memory_space<vmem>>, %arg4: memref<16x16000xf32, #tpu.memory_space<vmem>>, %arg5: memref<16x16000xf32, #tpu.memory_space<vmem>>, %arg6: memref<16x16000xf32, #tpu.memory_space<vmem>>, %arg7: memref<16x16000xf32, #tpu.memory_space<vmem>>, %arg8: memref<64x128xf32, #tpu.memory_space<vmem>>, %arg9: memref<1x128xf32, #tpu.memory_space<vmem>>, %arg10: memref<2500x128xf32, #tpu.memory_space<vmem>>, %arg11: memref<2500x128xf32, #tpu.memory_space<vmem>>, %arg12: memref<16000x128xf32, #tpu.memory_space<vmem>>) attributes {dimension_semantics = [#tpu.dimension_semantics<arbitrary>], iteration_bounds = array<i64: 5>, scalar_prefetch = 0 : i64, scratch_operands = 0 : i64, tpu.core_type = #tpu.core_type<tc>, window_params = [{pipeline_mode = #tpu.pipeline_mode<synchronous>, transform_indices = @transform_0, window_bounds = array<i64: 2500, 512>}, {pipeline_mode = #tpu.pipeline_mode<synchronous>, transform_indices = @transform_1, window_bounds = array<i64: 512, 128>}, {pipeline_mode = #tpu.pipeline_mode<synchronous>, transform_indices = @transform_2, window_bounds = array<i64: 512, 128>}, {transform_indices = @transform_3, window_bounds = array<i64: 16, 16000>}, {transform_indices = @transform_4, window_bounds = array<i64: 16, 16000>}, {transform_indices = @transform_5, window_bounds = array<i64: 16, 16000>}, {transform_indices = @transform_6, window_bounds = array<i64: 16, 16000>}, {pipeline_mode = #tpu.pipeline_mode<synchronous>, transform_indices = @transform_7, window_bounds = array<i64: 64, 128>}, {pipeline_mode = #tpu.pipeline_mode<synchronous>, transform_indices = @transform_8, window_bounds = array<i64: 1, 128>}, {pipeline_mode = #tpu.pipeline_mode<synchronous>, transform_indices = @transform_9, window_bounds = array<i64: 2500, 128>}, {pipeline_mode = #tpu.pipeline_mode<synchronous>, transform_indices = @transform_10, window_bounds = array<i64: 2500, 128>}, {transform_indices = @transform_11, window_bounds = array<i64: 16000, 128>}]} {
    %eq3A = arith.constant 0 : i32
    %eq3A_0 = arith.cmpi eq, %arg0, %eq3A : i32
    %convert_element_type3A = arith.extui %eq3A_0 : i1 to i32
    %cond3A = arith.constant 0 : i32
    %cond3A_1 = arith.cmpi ne, %convert_element_type3A, %cond3A : i32
    scf.if %cond3A_1 {
      %get3A_23 = arith.constant 0 : index
      %get3A_24 = arith.constant 0 : index
      %get3A_25 = vector.load %arg1[%get3A_23, %get3A_24] : memref<2500x512xf32, #tpu.memory_space<vmem>>, vector<2500x512xf32>
      %get3A_26 = arith.constant 0 : index
      %get3A_27 = arith.constant 0 : index
      %get3A_28 = vector.load %arg2[%get3A_26, %get3A_27] : memref<512x128xf32, #tpu.memory_space<vmem>>, vector<512x128xf32>
      %dot_general3A_29 = arith.constant dense<0.000000e+00> : vector<2500x128xf32>
      %dot_general3A_30 = tpu.matmul %get3A_25, %get3A_28, %dot_general3A_29 {dimension_numbers = #tpu.dot_dimension_numbers<[1], [0], [0], [1], [0, 0, 1, 1], [], []>, transpose_lhs_hint = false} : vector<2500x512xf32>, vector<512x128xf32>, vector<2500x128xf32> -> vector<2500x128xf32>
      %swap3A_31 = arith.constant 0 : index
      %swap3A_32 = arith.constant 0 : index
      %swap3A_33 = vector.load %arg10[%swap3A_31, %swap3A_32] : memref<2500x128xf32, #tpu.memory_space<vmem>>, vector<2500x128xf32>
      tpu.vector_store %arg10[%swap3A_31, %swap3A_32], %dot_general3A_30 {strides = array<i32>} : memref<2500x128xf32, #tpu.memory_space<vmem>>, vector<2500x128xf32>,
      %get3A_34 = arith.constant 0 : index
      %get3A_35 = arith.constant 0 : index
      %get3A_36 = vector.load %arg3[%get3A_34, %get3A_35] : memref<512x128xf32, #tpu.memory_space<vmem>>, vector<512x128xf32>
      %dot_general3A_37 = arith.constant dense<0.000000e+00> : vector<2500x128xf32>
      %dot_general3A_38 = tpu.matmul %get3A_25, %get3A_36, %dot_general3A_37 {dimension_numbers = #tpu.dot_dimension_numbers<[1], [0], [0], [1], [0, 0, 1, 1], [], []>, transpose_lhs_hint = false} : vector<2500x512xf32>, vector<512x128xf32>, vector<2500x128xf32> -> vector<2500x128xf32>
      %swap3A_39 = arith.constant 0 : index
      %swap3A_40 = arith.constant 0 : index
      %swap3A_41 = vector.load %arg11[%swap3A_39, %swap3A_40] : memref<2500x128xf32, #tpu.memory_space<vmem>>, vector<2500x128xf32>
      tpu.vector_store %arg11[%swap3A_39, %swap3A_40], %dot_general3A_38 {strides = array<i32>} : memref<2500x128xf32, #tpu.memory_space<vmem>>, vector<2500x128xf32>,
    } else {
    }
    %get3A = arith.constant 0 : index
    %get3A_2 = arith.constant 0 : index
    %get3A_3 = vector.load %arg4[%get3A, %get3A_2] : memref<16x16000xf32, #tpu.memory_space<vmem>>, vector<16x16000xf32>
    %get3A_4 = arith.constant 0 : index
    %get3A_5 = arith.constant 0 : index
    %get3A_6 = vector.load %arg5[%get3A_4, %get3A_5] : memref<16x16000xf32, #tpu.memory_space<vmem>>, vector<16x16000xf32>
    %get3A_7 = arith.constant 0 : index
    %get3A_8 = arith.constant 0 : index
    %get3A_9 = vector.load %arg6[%get3A_7, %get3A_8] : memref<16x16000xf32, #tpu.memory_space<vmem>>, vector<16x16000xf32>
    %get3A_10 = arith.constant 0 : index
    %get3A_11 = arith.constant 0 : index
    %get3A_12 = vector.load %arg7[%get3A_10, %get3A_11] : memref<16x16000xf32, #tpu.memory_space<vmem>>, vector<16x16000xf32>
    %concatenate3A = tpu.concatenate %get3A_3, %get3A_6, %get3A_9, %get3A_12 in 0 : vector<16x16000xf32>, vector<16x16000xf32>, vector<16x16000xf32>, vector<16x16000xf32> -> vector<64x16000xf32>
    %get3A_13 = arith.constant 0 : index
    %get3A_14 = arith.constant 0 : index
    %get3A_15 = vector.load %arg8[%get3A_13, %get3A_14] : memref<64x128xf32, #tpu.memory_space<vmem>>, vector<64x128xf32>
    %dot_general3A = arith.constant dense<0.000000e+00> : vector<16000x128xf32>
    %dot_general3A_16 = tpu.matmul %concatenate3A, %get3A_15, %dot_general3A {dimension_numbers = #tpu.dot_dimension_numbers<[0], [0], [1], [1], [0, 1, 1, 1], [], []>, transpose_lhs_hint = false} : vector<64x16000xf32>, vector<64x128xf32>, vector<16000x128xf32> -> vector<16000x128xf32>
    %get3A_17 = arith.constant 0 : index
    %get3A_18 = arith.constant 0 : index
    %get3A_19 = vector.load %arg9[%get3A_17, %get3A_18] : memref<1x128xf32, #tpu.memory_space<vmem>>, vector<1x128xf32>
    %add3A = vector.broadcast %get3A_19 : vector<1x128xf32> to vector<16000x128xf32>
    %add3A_20 = arith.addf %dot_general3A_16, %add3A : vector<16000x128xf32>
    %swap3A = arith.constant 0 : index
    %swap3A_21 = arith.constant 0 : index
    %swap3A_22 = vector.load %arg12[%swap3A, %swap3A_21] : memref<16000x128xf32, #tpu.memory_space<vmem>>, vector<16000x128xf32>
    tpu.vector_store %arg12[%swap3A, %swap3A_21], %add3A_20 {strides = array<i32>} : memref<16000x128xf32, #tpu.memory_space<vmem>>, vector<16000x128xf32>,
    return
  }
  func.func @transform_0(%arg0: i32) -> (i32, i32) {
    %c0_i32 = arith.constant 0 : i32
    %c0_i32_0 = arith.constant 0 : i32
    %c0_i32_1 = arith.constant 0 : i32
    return %c0_i32, %c0_i32_0 : i32, i32
  }
  func.func @transform_1(%arg0: i32) -> (i32, i32) {
    %c0_i32 = arith.constant 0 : i32
    %c0_i32_0 = arith.constant 0 : i32
    %c0_i32_1 = arith.constant 0 : i32
    return %c0_i32, %c0_i32_0 : i32, i32
  }
  func.func @transform_2(%arg0: i32) -> (i32, i32) {
    %c0_i32 = arith.constant 0 : i32
    %c0_i32_0 = arith.constant 0 : i32
    %c0_i32_1 = arith.constant 0 : i32
    return %c0_i32, %c0_i32_0 : i32, i32
  }
  func.func @transform_3(%arg0: i32) -> (i32, i32) {
    %add3A = arith.constant 0 : i32
    %add3A_0 = arith.addi %add3A, %arg0 : i32
    %c0_i32 = arith.constant 0 : i32
    %c0_i32_1 = arith.constant 0 : i32
    return %c0_i32, %add3A_0 : i32, i32
  }
  func.func @transform_4(%arg0: i32) -> (i32, i32) {
    %add3A = arith.constant 5 : i32
    %add3A_0 = arith.addi %add3A, %arg0 : i32
    %c0_i32 = arith.constant 0 : i32
    %c0_i32_1 = arith.constant 0 : i32
    return %c0_i32, %add3A_0 : i32, i32
  }
  func.func @transform_5(%arg0: i32) -> (i32, i32) {
    %add3A = arith.constant 10 : i32
    %add3A_0 = arith.addi %add3A, %arg0 : i32
    %c0_i32 = arith.constant 0 : i32
    %c0_i32_1 = arith.constant 0 : i32
    return %c0_i32, %add3A_0 : i32, i32
  }
  func.func @transform_6(%arg0: i32) -> (i32, i32) {
    %add3A = arith.constant 15 : i32
    %add3A_0 = arith.addi %add3A, %arg0 : i32
    %c0_i32 = arith.constant 0 : i32
    %c0_i32_1 = arith.constant 0 : i32
    return %c0_i32, %add3A_0 : i32, i32
  }
  func.func @transform_7(%arg0: i32) -> (i32, i32) {
    %c0_i32 = arith.constant 0 : i32
    %c0_i32_0 = arith.constant 0 : i32
    %c0_i32_1 = arith.constant 0 : i32
    return %c0_i32, %c0_i32_0 : i32, i32
  }
  func.func @transform_8(%arg0: i32) -> (i32, i32) {
    %c0_i32 = arith.constant 0 : i32
    %c0_i32_0 = arith.constant 0 : i32
    %c0_i32_1 = arith.constant 0 : i32
    return %c0_i32, %c0_i32_0 : i32, i32
  }
  func.func @transform_9(%arg0: i32) -> (i32, i32) {
    %c0_i32 = arith.constant 0 : i32
    %c0_i32_0 = arith.constant 0 : i32
    %c0_i32_1 = arith.constant 0 : i32
    return %c0_i32, %c0_i32_0 : i32, i32
  }
  func.func @transform_10(%arg0: i32) -> (i32, i32) {
    %c0_i32 = arith.constant 0 : i32
    %c0_i32_0 = arith.constant 0 : i32
    %c0_i32_1 = arith.constant 0 : i32
    return %c0_i32, %c0_i32_0 : i32, i32
  }
  func.func @transform_11(%arg0: i32) -> (i32, i32) {
    %c0_i32 = arith.constant 0 : i32
    %c0_i32_0 = arith.constant 0 : i32
    return %arg0, %c0_i32 : i32, i32
  }
}

module attributes {stable_mosaic.version = 14 : i64} {
  func.func @_fin_body(%arg0: memref<2x10000x40xf32, #tpu.memory_space<vmem>>, %arg1: memref<40x32xf32, #tpu.memory_space<vmem>>, %arg2: memref<32x10000xf32, #tpu.memory_space<vmem>>) attributes {dimension_semantics = [], scalar_prefetch = 0 : i64, scratch_operands = 0 : i64, tpu.core_type = #tpu.core_type<tc>} {
    %get3A = arith.constant 0 : index
    %get3A_0 = arith.constant 0 : index
    %get3A_1 = arith.constant 0 : index
    %get3A_2 = vector.load %arg0[%get3A, %get3A_0, %get3A_1] : memref<2x10000x40xf32, #tpu.memory_space<vmem>>, vector<1x10000x40xf32>
    %get3A_3 = vector.shape_cast %get3A_2 : vector<1x10000x40xf32> to vector<10000x40xf32>
    %get3A_4 = arith.constant 1 : index
    %get3A_5 = arith.constant 0 : index
    %get3A_6 = arith.constant 0 : index
    %get3A_7 = vector.load %arg0[%get3A_4, %get3A_5, %get3A_6] : memref<2x10000x40xf32, #tpu.memory_space<vmem>>, vector<1x10000x40xf32>
    %get3A_8 = vector.shape_cast %get3A_7 : vector<1x10000x40xf32> to vector<10000x40xf32>
    %add3A = arith.addf %get3A_3, %get3A_8 : vector<10000x40xf32>
    %get3A_9 = arith.constant 0 : index
    %get3A_10 = arith.constant 0 : index
    %get3A_11 = vector.load %arg1[%get3A_9, %get3A_10] : memref<40x32xf32, #tpu.memory_space<vmem>>, vector<40x32xf32>
    %dot_general3A = arith.constant dense<0.000000e+00> : vector<32x10000xf32>
    %dot_general3A_12 = tpu.matmul %get3A_11, %add3A, %dot_general3A {dimension_numbers = #tpu.dot_dimension_numbers<[0], [1], [1], [0], [0, 1, 1, 0], [], []>, transpose_lhs_hint = false} : vector<40x32xf32>, vector<10000x40xf32>, vector<32x10000xf32> -> vector<32x10000xf32>
    %swap3A = arith.constant 0 : index
    %swap3A_13 = arith.constant 0 : index
    %swap3A_14 = vector.load %arg2[%swap3A, %swap3A_13] : memref<32x10000xf32, #tpu.memory_space<vmem>>, vector<32x10000xf32>
    tpu.vector_store %arg2[%swap3A, %swap3A_13], %dot_general3A_12 {strides = array<i32>} : memref<32x10000xf32, #tpu.memory_space<vmem>>, vector<32x10000xf32>,
    return
  }
}

</mosaic_0001>

<sc_bundles>
// kernel: kernel.5.cloned.1.call-start
scs
__scs_entry_jumppad:
0x0: {  	(pc) =	sbr.rel $0x88, $3  }
0x1: {  	(tag) =	ssettag $0x0;
	lr =	simm.s32 $0x1  }
0x2: {  	[smem:$0x3F9A] =	sst lr;
	_ =	strace $0xD0000000  }
0x3: {  	_ = 	snop  }
0x4: {  	_ = 	snop  }
0x5: {  	_ = 	snop  }
0x6: {  	_ = 	snop  }
0x7: {  	_ = 	snop  }
__scs_overlays_trampoline_lowered:
0x8: {  	[smem:$0x3FA9] =	sst s0  }
0x9: {  	[smem:$0x3FAA] =	sst s1  }
0xa: {  	[smem:$0x3FAB] =	sst s2  }
0xb: {  	[smem:$0x3FAC] =	sst s3  }
0xc: {  	[smem:$0x3FAD] =	sst s4  }
0xd: {  	[smem:$0x3FAE] =	sst s5  }
0xe: {  	[smem:$0x3FAF] =	sst s6  }
0xf: {  	[smem:$0x3FB0] =	sst s7  }
0x10: {  	[smem:$0x3FB1] =	sst s8  }
0x11: {  	[smem:$0x3FB2] =	sst s9;
	s0 =	simm.s32 @!p0 $0x0  }
0x12: {  	s1 =	sld [smem:$0x3F98];
	s0 =	simm.s32 @p0 $0x1  }
0x13: {  	[smem:$0x3FB3] =	sst s0;
	s0 =	simm.s32 @!p1 $0x0  }
0x14: {  	s2 =	sld [smem:$0x3F97];
	s0 =	simm.s32 @p1 $0x1  }
0x15: {  	[smem:$0x3FB4] =	sst s0;
	s0 =	simm.s32 @!p2 $0x0  }
0x16: {  	s3 =	sld [smem:$0x3FDB];
	s0 =	simm.s32 @p2 $0x1  }
0x17: {  	s4 =	simm.s32 $0x1BF5;
	[smem:$0x3FB6] =	sst s0  }
0x18: {  	s0 =	sld [smem:$0x3F99];
	_ =	swait.ge [sflag:s4], $0x0  }
0x19: {  	s7 =	sld [smem:$0x3F9A]  }
0x1a: {  	s8 =	sadd.s32 $0xFFFFE003, lr  }
0x1b: {  	s9 =	sadd.s32 $0xFFFFFEF7, lr;
	s5 =	simm.s32 $0xFFFFFFFF;
	p2 =	slt.u32 s8, $0xFFFFF086  }
0x1c: {  	p1 =	slt.u32 s9, $0xF7A;
	s5 =	simm.s32 @!p2 $0x0  }
0x1d: {  	s5 =	simm.s32 @p1 $0x1;
	p0 =	seq.s32 s7, s2  }
0x1e: {  	s7 =	smul.u32 @!p0 $0xF7A, s2;
	p2 =	seq.s32 @!p0 s5, $0x0  }
0x1f: {  	s9 =	smul.u32 $0xF7A, s1;
	s8 =	simm.s32 @!p0 $0x1BF5;
	p2 =	por !p2, p0  }
0x20: {  	[sflag:s8] =	ssyncset.s32 @!p0 $0xFFFFF086;
	s6 =	sadd.s32 @!p0 s3, s7;
	s7 =	simm.s32 @!p0 $0x108  }
0x21: {  	s3 =	sadd.s32 s3, s9;
	s6 =	sadd.s32 @!p0 $0x88, s6;
	s7 =	simm.s32 @p2 $0x1082  }
0x22: {  	[simem:s7], [sflag:s8] =	dma.local @!p0 [hbm:s6], $0xF7A  }
0x23: {  	s9 =	sor.u32 $0xD0000000, s2;
	s6 =	simm.s32 $0x108;
	_ =	swait.ge @!p0 [sflag:s8], $0x0  }
0x24: {  	s3 =	sadd.s32 $0x88, s3;
	s6 =	simm.s32 @!p1 $0x1082;
	[sflag:s4] =	ssyncset.s32 $0xFFFFF086  }
0x25: {  	[simem:s6], [sflag:s4] =	dma.local [hbm:s3], $0xF7A  }
0x26: {  	[smem:$0x3F9A] =	sst s1;
	(tag) =	ssettag s2;
	_ =	strace s9  }
0x27: {  	s1 =	sld [smem:$0x3FAA]  }
0x28: {  	s2 =	sld [smem:$0x3FAB]  }
0x29: {  	s4 =	sld [smem:$0x3FAD]  }
0x2a: {  	p0 =	seq.s32 s5, $0x0;
	s5 =	sld [smem:$0x3FAE]  }
0x2b: {  	s6 =	sld [smem:$0x3FAF]  }
0x2c: {  	s7 =	sld [smem:$0x3FB0]  }
0x2d: {  	s3 =	simm.s32 $0x108;
	s8 =	sld [smem:$0x3FB1]  }
0x2e: {  	s3 =	simm.s32 @!p0 $0x1082;
	s9 =	sld [smem:$0x3FB2]  }
0x2f: {  	lr =	sadd.s32 s0, s3;
	s0 =	sld [smem:$0x3FA9]  }
0x30: {  	s3 =	sld [smem:$0x3FAC]  }
0x31: {  	[smem:$0x3FB5] =	sst s10  }
0x32: {  	s10 =	sld [smem:$0x3FB3];
	_ =	sdelay $0x3  }
0x33: {  	p0 =	seq.s32 s10, $0x1;
	s10 =	sld [smem:$0x3FB5];
	_ =	sdelay $0x3  }
0x34: {  	[smem:$0x3FB5] =	sst s10  }
0x35: {  	s10 =	sld [smem:$0x3FB4];
	_ =	sdelay $0x3  }
0x36: {  	p1 =	seq.s32 s10, $0x1;
	s10 =	sld [smem:$0x3FB5];
	_ =	sdelay $0x3  }
0x37: {  	[smem:$0x3FB5] =	sst s10  }
0x38: {  	s10 =	sld [smem:$0x3FB6]  }
0x39: {  	_ = 	snop;
	(pc) =	sbr.ind lr, $3  }
0x3a: {  	_ = 	snop  }
0x3b: {  	_ = 	snop  }
0x3c: {  	p2 =	seq.s32 s10, $0x1;
	s10 =	sld [smem:$0x3FB5]  }
0x3d: {  	_ =	shalt  }
0x3e: {  	_ =	shalt  }
0x3f: {  	_ =	shalt  }
0x40: {  	_ =	shalt  }
0x41: {  	_ =	shalt  }
0x42: {  	_ =	shalt  }
0x43: {  	_ =	shalt  }
0x44: {  	_ =	shalt  }
0x45: {  	_ =	shalt  }
0x46: {  	_ =	shalt  }
0x47: {  	_ =	shalt  }
0x48: {  	_ =	shalt  }
0x49: {  	_ =	shalt  }
0x4a: {  	_ =	shalt  }
0x4b: {  	_ =	shalt  }
0x4c: {  	_ =	shalt  }
0x4d: {  	_ =	shalt  }
0x4e: {  	_ =	shalt  }
0x4f: {  	_ =	shalt  }
0x50: {  	_ =	shalt  }
0x51: {  	_ =	shalt  }
0x52: {  	_ =	shalt  }
0x53: {  	_ =	shalt  }
0x54: {  	_ =	shalt  }
0x55: {  	_ =	shalt  }
0x56: {  	_ =	shalt  }
0x57: {  	_ =	shalt  }
0x58: {  	_ =	shalt  }
0x59: {  	_ =	shalt  }
0x5a: {  	_ =	shalt  }
0x5b: {  	_ =	shalt  }
0x5c: {  	_ =	shalt  }
0x5d: {  	_ =	shalt  }
0x5e: {  	_ =	shalt  }
0x5f: {  	_ =	shalt  }
0x60: {  	_ =	shalt  }
0x61: {  	_ =	shalt  }
0x62: {  	_ =	shalt  }
0x63: {  	_ =	shalt  }
0x64: {  	_ =	shalt  }
0x65: {  	_ =	shalt  }
0x66: {  	_ =	shalt  }
0x67: {  	_ =	shalt  }
0x68: {  	_ =	shalt  }
0x69: {  	_ =	shalt  }
0x6a: {  	_ =	shalt  }
0x6b: {  	_ =	shalt  }
0x6c: {  	_ =	shalt  }
0x6d: {  	_ =	shalt  }
0x6e: {  	_ =	shalt  }
0x6f: {  	_ =	shalt  }
0x70: {  	_ =	shalt  }
0x71: {  	_ =	shalt  }
0x72: {  	_ =	shalt  }
0x73: {  	_ =	shalt  }
0x74: {  	_ =	shalt  }
0x75: {  	_ =	shalt  }
0x76: {  	_ =	shalt  }
0x77: {  	_ =	shalt  }
0x78: {  	_ =	shalt  }
0x79: {  	_ =	shalt  }
0x7a: {  	_ =	shalt  }
0x7b: {  	_ =	shalt  }
0x7c: {  	_ =	shalt  }
0x7d: {  	_ =	shalt  }
0x7e: {  	_ =	shalt  }
0x7f: {  	_ =	shalt  }
0x80: {  	_ =	shalt  }
0x81: {  	_ =	shalt  }
0x82: {  	_ =	shalt  }
0x83: {  	_ =	shalt  }
0x84: {  	_ =	shalt  }
0x85: {  	_ =	shalt  }
0x86: {  	_ =	shalt  }
0x87: {  	_ =	shalt  }
.Lfunc_end0:
.L_simem_size_0:
called_computation_lowered:
.L_overlay_start_0:
0x88: {  	s2 =	sld [smem:$0x3FD9]  }
0x89: {  	s3 =	sld [smem:$0x3FFE];
	_ =	sdelay $0x1  }
0x8a: {  	s1 =	srdreg.scid  }
0x8b: {  	s0 =	sand.u32 $0x1, s1  }
0x8c: {  	s17 =	sshll.u32 s0, $0xA;
	s2 =	sadd.s32 s3, s2  }
0x8d: {  	s2 =	sadd.s32 s2, s17  }
0x8e: {  	[smem:$0x3FC1] =	sst s2  }
0x8f: {  	_ = 	snop  }
0x90: {  	s2 =	sld [smem:$0x3FD0];
	(tm) =	ssettm $0x1  }
0x91: {  	s18 =	sld [smem:$0x3FFB];
	_ =	sdelay $0x3  }
0x92: {  	_ =	strace s18  }
0x93: {  	s3 =	sld [smem:$0x3FFC];
	_ =	sdelay $0x3  }
0x94: {  	_ =	strace s3  }
0x95: {  	s3 =	sld [smem:$0x3FFD];
	_ =	sdelay $0x3  }
0x96: {  	_ =	strace s3  }
0x97: {  	_ =	strace $0x8FFFFFFF  }
0x98: {  	s19 =	sld [smem:$0x3FDB];
	_ =	sdelay $0x1  }
0x99: {  	s4 =	simm.s32 $_scs_section_size  }
0x9a: {  	s5 =	simm.s32 $_size__tile_overlayer_lowered;
	s6 =	simm.s32 $_tile_overlayer_lowered  }
0x9b: {  	s22 =	simm.s32 $0x1BFF;
	s21 =	sshll.u32 s6, $0x1;
	s3 =	sadd.s32 s4, s19  }
0x9c: {  	s7 =	simm.s32 $0x0;
	s20 =	sshll.u32 s5, $0x1;
	s5 =	sadd.s32 s21, s3  }
0x9d: {  	[timem:s7], [sflag:s22] =	dma.local [hbm:s5], s20  }
0x9e: {  	_ =	swait.ge [sflag:s22], s20  }
0x9f: {  	s4 =	ssub.s32 $0x0, s20;
	[sflag:s22] =	ssyncset.done $0x0  }
0xa0: {  	[sflag:s22] =	ssyncadd.s32 s4;
	_ =	sdelay $0x1  }
0xa1: {  	s23 =	simm.s32 $0x1B8B  }
0xa2: {  	_ =	swait.ge [sflag:s23], $0x1  }
0xa3: {  	[sflag:s23] =	ssyncset.done $0x0  }
0xa4: {  	s25 =	simm.s32 $0x1B8E;
	s24 =	sld [smem:$0x3FFE];
	[sflag:s23] =	ssyncadd.s32 $0xFFFFFFFF  }
0xa5: {  	s26 =	simm.s32 $execute0_lowered;
	[smem:$0x3FD2] =	sst s25  }
0xa6: {  	s5 =	sshll.u32 s26, $0x1;
	_ =	strace $0x80000046;
	[dreg:$0x1] =	wrdreg $0xFFFFFFFF  }
0xa7: {  	s28 =	simm.s32 $_size_execute0_lowered;
	s3 =	sadd.s32 s3, s5;
	[dreg:$0x0] =	wrdreg $0x0  }
0xa8: {  	s5 =	sshll.u32 s28, $0x1;
	[dreg:$0x2] =	wrdreg s3  }
0xa9: {  	[dreg:$0x3] =	wrdreg s5  }
0xaa: {  	[dreg:$0x4] =	wrdreg $0xC0  }
0xab: {  	_ =	task [dreg:s7], $0x5FFFF  }
0xac: {  	[dreg:$0x1] =	wrdreg $0xFFFFFFFF  }
0xad: {  	[dreg:$0x0] =	wrdreg $0x60  }
0xae: {  	[dreg:$0x2] =	wrdreg s2  }
0xaf: {  	[dreg:$0x3] =	wrdreg s24  }
0xb0: {  	[dreg:$0x4] =	wrdreg $0x136780  }
0xb1: {  	[dreg:$0x5] =	wrdreg $0x9  }
0xb2: {  	_ =	task.clear_ibuf [dreg:s7], $0x6FFFF;
	_ =	strace $0x90000046  }
0xb3: {  	s29 =	simm.s32 $0x9;
	_ =	strace $0x80000048  }
0xb4: {  	_ =	swait.ge [sflag:s29], $0x1  }
0xb5: {  	[sflag:s29] =	ssyncadd.s32 $0xFFFFFFFF  }
0xb6: {  	_ =	strace $0x90000048  }
0xb7: {  	_ =	sfence  }
0xb8: {  	s30 =	sld [smem:$0x0];
	_ =	sdelay $0x2  }
0xb9: {  	s31 =	sshll.u32 s1, $0xD;
	s1 =	sshrl.u32 s1, $0x2  }
0xba: {  	s3 =	sand.u32 $0x4000, s31;
	s1 =	sadd.s32 s1, s30  }
0xbb: {  	s0 =	sor.u32 s3, s0;
	s1 =	sshll.u32 s1, $0x11  }
0xbc: {  	s0 =	sor.u32 s1, s0  }
0xbd: {  	s0 =	sadd.s32 $0x8F2B, s0  }
0xbe: {  	[sflag:s0] =	ssyncadd.remote.s32 $0x1  }
0xbf: {  	_ =	sfence.sel $0xFFFF  }
0xc0: {  	[dreg:$0x0] =	wrdreg $0xFFFFFFFF;
	(pc) =	sbr.abs _section_cstart, $3  }
0xc1: {  	[dreg:$0x1] =	wrdreg $0xFFFFFFFF  }
0xc2: {  	_ =	task.clear_ibuf [dreg:s7], $0x2FFFF;
	_ =	strace $0x9FFFFFFF  }
0xc3: {  	(tm) =	ssettm $0x7FFFFFFF  }
tec
execute0_lowered:
.L_overlay_start_1:
0x0: {  	(tag) =	ssettag $0x1  }
0x1: {  	s0 =	rddreg [dreg:$0x0]  }
0x2: {  	s1 =	srdreg.scid;
	s2 =	rddreg [dreg:$0x1]  }
0x3: {  	s3 =	rddreg [dreg:$0x2];
	s13 =	stileid.u32;
	s4 =	simm.s32 $0x0  }
0x4: {  	s12 =	simm.s32 $0x1;
	s19 =	simm.s32 $0xADC0;
	s28 =	simm.s32 $0x80  }
0x5: {  	s30 =	simm.s32 $0x5FA0;
	s31 =	simm.s32 $0x7EE0;
	s29 =	simm.s32 $0x0  }
0x6: {  	s1 =	sand.u32 $0x1, s1;
	[smem:$0x7FF] =	sst s4;
	s10 =	smul.u32 $0x61A8, s13  }
0x7: {  	s6 =	sadd.s32 $0x15000, s2;
	s20 =	sadd.s32 $0x157600, s2;
	s21 =	sand.u32 $0x7, s13  }
0x8: {  	s5 =	sshll.u32 s1, $0x4;
	_ =	strace $0x80000047;
	s9 =	smul.u32 $0x61A80, s1  }
0x9: {  	[dreg:$0x4] =	wrdreg s20;
	p1 =	sne.s32 s21, $0x0;
	s1 =	ssub.s32 $0x2, s1  }
0xa: {  	s23 =	smul.u32 $0x138800, s21;
	s20 =	simm.s32 $0xC148;
	s7 =	sor.u32 s13, s5  }
0xb: {  	s5 =	sadd.s32 $0x14D800, s2;
	s22 =	sshrl.u32 s1, $0x1;
	s13 =	smul.u32 $0x186A0, s13  }
0xc: {  	s8 =	smul.u32 $0x500, s7;
	s9 =	sadd.s32 s10, s9;
	p0 =	seq.s32 s7, $0x0  }
0xd: {  	s7 =	sshrl.u32 s7, $0x3;
	s1 =	ssub.s32 s1, s22;
	s22 =	simm.s32 $0x5  }
0xe: {  	s9 =	sshrl.u32 s9, $0x3;
	p0 =	por !p1, !p0;
	s25 =	sshrl.u32 s13, $0x2  }
0xf: {  	s13 =	smul.u32 $0x2710, s21;
	s1 =	smax.u32 s1, $0x1;
	s21 =	simm.s32 $0xD4D0  }
0x10: {  	s11 =	sadd.s32 s8, s2;
	s8 =	sadd.s32 $0x14C00, s2;
	p0 =	por !p0, !p0  }
0x11: {  	s2 =	sadd.s32 s9, s2;
	[dreg:$0x9] =	wrdreg s1;
	s12 =	simm.s32 @!p0 $0x0  }
0x12: {  	s24 =	sadd.s32 $0xAC00, s11;
	s11 =	sadd.s32 $0xC00, s11;
	s7 =	ssub.s32 s7, s12  }
0x13: {  	s14 =	sadd.s32 s25, s3;
	[dreg:$0x6] =	wrdreg s11;
	s11 =	sshll.u32 s7, $0x5  }
0x14: {  	s1 =	simm.s32 $0x9E20;
	s2 =	sadd.s32 $0x158400, s2;
	s9 =	sadd.s32 s23, s11  }
0x15: {  	[dreg:$0x5] =	wrdreg s24;
	s12 =	simm.s32 $0x1;
	s26 =	sshrl.u32 s9, $0x3  }
0x16: {  	[dreg:$0x8] =	wrdreg s2;
	s2 =	simm.s32 $0x2;
	s7 =	sadd.s32 s6, s26  }
0x17: {  	s23 =	simm.s32 $0x7D;
	s26 =	simm.s32 $0x20;
	[dreg:$0x7] =	wrdreg s7  }
.LBB2_1:
0x18: {  	s7 =	rddreg [dreg:$0x5]  }
0x19: {  	[tilespmem:s4], [sflag:$0x1] =	stream.linear.gather [hbm4b:s7+s4], $0x2800, $0x38;
	[tilespmem:$0x19820] =	vst v63  }
0x1a: {  	s15 =	rddreg [dreg:$0x6];
	s9 =	simm.s32 $0x2800  }
0x1b: {  	[tilespmem:s9], [sflag:$0x1] =	stream.linear.gather [hbm4b:s15+s4], $0x2800, $0x38;
	[tilespmem:$0x19820] =	vst v63  }
0x1c: {  	_ = 	snop  }
0x1d: {  	[tilespmem:s19], [sflag:$0x1] =	stream.linear.gather [hbm4b:s8+s4], $0x1388, $0x38;
	[tilespmem:$0x19820] =	vst v63  }
0x1e: {  	_ = 	snop  }
0x1f: {  	[tilespmem:s20], [sflag:$0x1] =	stream.linear.gather [hbm4b:s8+s4], $0x1388, $0x38;
	[tilespmem:$0x19820] =	vst v63  }
0x20: {  	s16 =	rddreg [dreg:$0x4]  }
0x21: {  	[tilespmem:s21], [sflag:$0x1] =	stream.linear.gather [hbm4b:s16+s4], $0x61A8, $0x38;
	[tilespmem:$0x19820] =	vst v63  }
0x22: {  	_ =	swait.ge [sflag:s12], $0x2800  }
0x23: {  	[sflag:s12] =	ssyncset.done $0x0  }
0x24: {  	[sflag:s12] =	ssyncadd.s32 $0xFFFFD800  }
0x25: {  	_ =	swait.ge [sflag:s12], $0x2800  }
0x26: {  	[sflag:s12] =	ssyncset.done $0x0  }
0x27: {  	[sflag:s12] =	ssyncadd.s32 $0xFFFFD800  }
0x28: {  	_ =	swait.ge [sflag:s12], $0x1388  }
0x29: {  	[sflag:s12] =	ssyncset.done $0x0  }
0x2a: {  	[sflag:s12] =	ssyncadd.s32 $0xFFFFEC78  }
0x2b: {  	_ =	swait.ge [sflag:s12], $0x1388  }
0x2c: {  	[sflag:s12] =	ssyncset.done $0x0  }
0x2d: {  	[sflag:s12] =	ssyncadd.s32 $0xFFFFEC78  }
0x2e: {  	_ =	swait.ge [sflag:s12], $0x61A8  }
0x2f: {  	[sflag:s12] =	ssyncset.done $0x0  }
0x30: {  	[sflag:s12] =	ssyncadd.s32 $0xFFFF9E58  }
0x31: {  	[spmem:s14] =	stream.linear.scatter [tilespmem:s21], [sflag:$0x5], $0x61A8, $0x38;
	[tilespmem:$0x19820] =	vst v63  }
0x32: {  	_ =	swait.ge [sflag:s22], $0x61A8  }
0x33: {  	[sflag:s22] =	ssyncset.done $0x0  }
0x34: {  	[sflag:s22] =	ssyncadd.s32 $0xFFFF9E58  }
0x35: {  	s17 =	simm.s32 $0x5000;
	[bflag:$0x0] =	sbarrier.arrive $0xFFFF  }
0x36: {  	[tilespmem:s17], [sflag:$0x1] =	stream.indirect.gather [hbm4b:s0+s23], $0x20, s4, s23, $0xb8;
	[tilespmem:$0x19820] =	vst v63  }
0x37: {  	s18 =	simm.s32 $0x6F40  }
0x38: {  	[tilespmem:s18], [sflag:$0x1] =	stream.indirect.gather [hbm4b:s5+s23], $0x20, s9, s23, $0xb8;
	[tilespmem:$0x19820] =	vst v63  }
0x39: {  	s25 =	simm.s32 $0x8E80;
	s7 =	simm.s32 $0x0;
	s24 =	rddreg [dreg:$0x7]  }
0x3a: {  	[tilespmem:s25], [sflag:$0x1] =	stream.strided.gather [hbm4b:s24+s26], $0xFA0, s28, s26, $0x38;
	[tilespmem:$0x19820] =	vst v63  }
.LBB2_2:
0x3b: {  	s9 =	sshllo.u32 s7, $0x1  }
0x3c: {  	s10 =	sshll.u32 s9, $0x7;
	s9 =	smul.u32 $0x7D, s9  }
0x3d: {  	[tilespmem:s30], [sflag:$0x2] =	stream.indirect.gather [hbm4b:s0+s23], $0x20, s10, s23, $0xb8;
	[tilespmem:$0x19820] =	vst v63  }
0x3e: {  	s10 =	sadd.s32 $0x2800, s10;
	s9 =	sadd.s32 s13, s9  }
0x3f: {  	[tilespmem:s31], [sflag:$0x2] =	stream.indirect.gather [hbm4b:s5+s23], $0x20, s10, s23, $0xb8;
	[tilespmem:$0x19820] =	vst v63  }
0x40: {  	s9 =	sshll.u32 s9, $0x7  }
0x41: {  	s9 =	sadd.s32 s11, s9  }
0x42: {  	s9 =	sshrl.u32 s9, $0x3  }
0x43: {  	s9 =	sadd.s32 s6, s9  }
0x44: {  	[tilespmem:s1], [sflag:$0x2] =	stream.strided.gather [hbm4b:s9+s26], $0xFA0, s28, s26, $0x38;
	[tilespmem:$0x19820] =	vst v63  }
0x45: {  	_ =	swait.ge [sflag:s12], $0xFA0  }
0x46: {  	[sflag:s12] =	ssyncset.done $0x0  }
0x47: {  	[sflag:s12] =	ssyncadd.s32 $0xFFFFF060  }
0x48: {  	_ =	swait.ge [sflag:s12], $0xFA0  }
0x49: {  	[sflag:s12] =	ssyncset.done $0x0  }
0x4a: {  	[sflag:s12] =	ssyncadd.s32 $0xFFFFF060  }
0x4b: {  	_ =	swait.ge [sflag:s12], $0xFA0  }
0x4c: {  	p0 =	seq.s32 s7, $0x0;
	[sflag:s12] =	ssyncset.done $0x0  }
0x4d: {  	s9 =	simm.s32 @!p0 $0x3;
	[sflag:s12] =	ssyncadd.s32 $0xFFFFF060  }
0x4e: {  	_ =	swait.ge @!p0 [sflag:s9], $0x1388  }
0x4f: {  	[sflag:s9] =	ssyncset.done @!p0 $0x0  }
0x50: {  	s15 =	simm.s32 $0x5050;
	[sflag:s9] =	ssyncadd.s32 @!p0 $0xFFFFEC78  }
0x51: {  	s9 =	simm.s32 $0x6F90;
	v0 =	vld [tilespmem:s15+$0x30]  }
0x52: {  	v1 =	vld [tilespmem:s9+$0x30]  }
0x53: {  	s10 =	simm.s32 $0x8ED0;
	v2 =	vld [tilespmem:s9+$0xFFFFFFB0]  }
0x54: {  	v3 =	vld [tilespmem:s10+$0x30]  }
0x55: {  	v4 =	vld [tilespmem:s15+$0xFFFFFFD0]  }
0x56: {  	v5 =	vld [tilespmem:s9+$0xFFFFFFD0]  }
0x57: {  	v7 =	vld [tilespmem:s15+$0xFFFFFFB0]  }
0x58: {  	v6 =	vld [tilespmem:s15+$0xFFFFFFF0]  }
0x59: {  	v8 =	vld [tilespmem:s10+$0xFFFFFFB0];
	v0 =	vadd.f32 v1, v0  }
0x5a: {  	v9 =	vld [tilespmem:s15+$0x10]  }
0x5b: {  	v1 =	vld [tilespmem:s9+$0xFFFFFFF0];
	v0 =	vadd.f32 v3, v0  }
0x5c: {  	v2 =	vadd.f32 v2, v7;
	v3 =	vld [tilespmem:s10+$0xFFFFFFD0]  }
0x5d: {  	s18 =	simm.s32 $0xAE20;
	v7 =	vld [tilespmem:s9+$0x10];
	v0 =	vmax.f32 v0, $0.0e+00  }
0x5e: {  	v2 =	vadd.f32 v8, v2;
	[tilespmem:s18+$0x40] =	vst v0;
	v0 =	vld [tilespmem:s10+$0xFFFFFFF0]  }
0x5f: {  	v4 =	vadd.f32 v5, v4;
	v8 =	vld [tilespmem:s10+$0x10]  }
0x60: {  	v2 =	vmax.f32 v2, $0.0e+00;
	v5 =	vld [tilespmem:s15+$0x40]  }
0x61: {  	v1 =	vadd.f32 v1, v6;
	[tilespmem:s18+$0xFFFFFFA0] =	vst v2;
	v6 =	vld [tilespmem:s9+$0x40];
	v3 =	vadd.f32 v3, v4  }
0x62: {  	v2 =	vadd.f32 v7, v9;
	v7 =	vld [tilespmem:s15+$0xFFFFFFC0]  }
0x63: {  	v4 =	vld [tilespmem:s10+$0x40];
	v3 =	vmax.f32 v3, $0.0e+00;
	v0 =	vadd.f32 v0, v1  }
0x64: {  	v63 =	vld [tilespmem:s9+$0xFFFFFFC0];
	[tilespmem:s18+$0xFFFFFFC8] =	vst v3  }
0x65: {  	v1 =	vadd.f32 v8, v2;
	v8 =	vld [tilespmem:s15+$0xFFFFFFE0];
	v0 =	vmax.f32 v0, $0.0e+00  }
0x66: {  	v2 =	vadd.f32 v6, v5;
	v10 =	vld [tilespmem:s9+$0xFFFFFFE0];
	[tilespmem:s18+$0xFFFFFFF0] =	vst v0  }
0x67: {  	v0 =	vmax.f32 v1, $0.0e+00;
	v1 =	vld [tilespmem:s15+$0x0]  }
0x68: {  	v3 =	vadd.f32 v4, v2;
	[tilespmem:s18+$0x18] =	vst v0;
	v4 =	vld [tilespmem:s9+$0x0]  }
0x69: {  	v2 =	vld [tilespmem:s15+$0x20]  }
0x6a: {  	s17 =	simm.s32 $0x0;
	s25 =	simm.s32 $0x50F0;
	v0 =	vmax.f32 v3, $0.0e+00;
	v5 =	vld [tilespmem:s9+$0x20]  }
0x6b: {  	s24 =	simm.s32 $0x8ED0;
	s16 =	simm.s32 $0xAE20;
	v6 =	vld [tilespmem:s10+$0xFFFFFFC0];
	s15 =	sshll.u32 s7, $0x1;
	v3 =	vadd.f32 v63, v7;
	[tilespmem:s18+$0x50] =	vst v0;
	v0 =	vadd.f32 v10, v8  }
.LBB2_3:
0x6c: {  	v7 =	vld [tilespmem:s25+$0x30];
	s9 =	sadd.s32 $0xA0, s9  }
0x6d: {  	v8 =	vld [tilespmem:s9+$0x30];
	v1 =	vadd.f32 v4, v1  }
0x6e: {  	s17 =	sadd.s32 $0x5, s17;
	s10 =	sadd.s32 $0xA0, s10;
	v4 =	vld [tilespmem:s9+$0xFFFFFFB0]  }
0x6f: {  	p1 =	slt.u32 s17, $0x78;
	v9 =	vld [tilespmem:s10+$0x30];
	v2 =	vadd.f32 v5, v2  }
0x70: {  	v5 =	vld [tilespmem:s25+$0xFFFFFFD0];
	v3 =	vadd.f32 v6, v3  }
0x71: {  	v6 =	vld [tilespmem:s9+$0xFFFFFFD0]  }
0x72: {  	v10 =	vld [tilespmem:s25+$0xFFFFFFF0];
	v7 =	vadd.f32 v8, v7;
	v3 =	vmax.f32 v3, $0.0e+00  }
0x73: {  	v8 =	vld [tilespmem:s9+$0xFFFFFFF0];
	[tilespmem:s18+$0xFFFFFFB0] =	vst v3  }
0x74: {  	v3 =	vld [tilespmem:s25+$0x10];
	v7 =	vadd.f32 v9, v7  }
0x75: {  	v9 =	vld [tilespmem:s9+$0x10]  }
0x76: {  	s18 =	sadd.s32 $0xC8, s18;
	v11 =	vld [tilespmem:s25+$0xFFFFFFB0];
	v5 =	vadd.f32 v6, v5;
	v6 =	vmax.f32 v7, $0.0e+00  }
0x77: {  	v7 =	vld [tilespmem:s10+$0xFFFFFFB0];
	[tilespmem:s18+$0x40] =	vst v6  }
0x78: {  	v6 =	vadd.f32 v8, v10;
	v8 =	vld [tilespmem:s25+$0x40]  }
0x79: {  	v10 =	vld [tilespmem:s9+$0x40]  }
0x7a: {  	v12 =	vld [tilespmem:s10+$0xFFFFFFD0];
	v3 =	vadd.f32 v9, v3  }
0x7b: {  	v4 =	vadd.f32 v4, v11;
	v9 =	vld [tilespmem:s10+$0x40]  }
0x7c: {  	v11 =	vld [tilespmem:s10+$0xFFFFFFF0]  }
0x7d: {  	v4 =	vadd.f32 v7, v4;
	v7 =	vld [tilespmem:s10+$0x10]  }
0x7e: {  	v8 =	vadd.f32 v10, v8;
	v10 =	vld [tilespmem:s24+$0xFFFFFFE0]  }
0x7f: {  	v4 =	vmax.f32 v4, $0.0e+00;
	v5 =	vadd.f32 v12, v5;
	v12 =	vld [tilespmem:s24+$0x0]  }
0x80: {  	[tilespmem:s18+$0xFFFFFFA0] =	vst v4;
	v4 =	vadd.f32 v9, v8;
	v8 =	vld [tilespmem:s24+$0x20];
	s24 =	smov.u32 s10  }
0x81: {  	v9 =	vld [tilespmem:s25+$0xFFFFFFC0];
	v5 =	vmax.f32 v5, $0.0e+00;
	v6 =	vadd.f32 v11, v6  }
0x82: {  	v11 =	vld [tilespmem:s9+$0xFFFFFFC0];
	[tilespmem:s18+$0xFFFFFFC8] =	vst v5;
	v3 =	vadd.f32 v7, v3;
	v4 =	vmax.f32 v4, $0.0e+00  }
0x83: {  	v7 =	vld [tilespmem:s25+$0xFFFFFFE0];
	v5 =	vmax.f32 v6, $0.0e+00;
	[tilespmem:s18+$0x50] =	vst v4;
	v0 =	vadd.f32 v10, v0  }
0x84: {  	v10 =	vld [tilespmem:s9+$0xFFFFFFE0];
	[tilespmem:s18+$0xFFFFFFF0] =	vst v5;
	v3 =	vmax.f32 v3, $0.0e+00;
	v5 =	vadd.f32 v12, v1  }
.Ltmp0:
0x85: {  	v1 =	vld [tilespmem:s25+$0x0];
	[tilespmem:s18+$0x18] =	vst v3;
	v0 =	vmax.f32 v0, $0.0e+00;
	v6 =	vadd.f32 v8, v2;
	(pc) =	sbr.rel @p1 .LBB2_3-.Ltmp0, $4  }
0x86: {  	v4 =	vld [tilespmem:s9+$0x0];
	[tilespmem:s16+$0xFFFFFFD8] =	vst v0;
	v0 =	vmax.f32 v5, $0.0e+00  }
0x87: {  	v3 =	vadd.f32 v11, v9;
	v2 =	vld [tilespmem:s25+$0x20];
	[tilespmem:s16+$0x0] =	vst v0;
	v0 =	vmax.f32 v6, $0.0e+00  }
0x88: {  	v5 =	vld [tilespmem:s9+$0x20];
	[tilespmem:s16+$0x28] =	vst v0;
	s16 =	smov.u32 s18  }
0x89: {  	s25 =	sadd.s32 $0xA0, s25;
	v6 =	vld [tilespmem:s10+$0xFFFFFFC0];
	v0 =	vadd.f32 v10, v7  }
0x8a: {  	v7 =	vld [tilespmem:s24+$0xFFFFFFE0]  }
0x8b: {  	v8 =	vld [tilespmem:s24+$0x0]  }
0x8c: {  	v9 =	vld [tilespmem:s24+$0x20];
	_ =	sdelay $0x1  }
0x8d: {  	p1 =	seq.s32 s7, $0x27;
	v1 =	vadd.f32 v4, v1;
	v3 =	vadd.f32 v6, v3  }
0x8e: {  	s10 =	sadd.s32 @!p1 $0x2, s15;
	v2 =	vadd.f32 v5, v2;
	v0 =	vadd.f32 v7, v0  }
0x8f: {  	s15 =	sshll.u32 @!p1 s10, $0x7;
	s10 =	smul.u32 @!p1 $0x7D, s10;
	v1 =	vadd.f32 v8, v1;
	v3 =	vmax.f32 v3, $0.0e+00  }
0x90: {  	v2 =	vadd.f32 v9, v2;
	[tilespmem:s18+$0xFFFFFFB0] =	vst v3;
	v0 =	vmax.f32 v0, $0.0e+00  }
0x91: {  	s10 =	sadd.s32 @!p1 s13, s10;
	[tilespmem:s16+$0xFFFFFFD8] =	vst v0;
	v0 =	vmax.f32 v1, $0.0e+00  }
0x92: {  	s9 =	sshll.u32 s7, $0x8;
	s10 =	sshll.u32 @!p1 s10, $0x7;
	[tilespmem:s16+$0x0] =	vst v0;
	v0 =	vmax.f32 v2, $0.0e+00  }
0x93: {  	s9 =	sand.u32 $0x3FFFFF00, s9;
	s10 =	sadd.s32 @!p1 s11, s10;
	[tilespmem:s16+$0x28] =	vst v0  }
0x94: {  	[spmem:s3] =	stream.indirect.scatter.add.f32 [tilespmem:s19], [sflag:$0x3], $0x28, s9, s23, $0xb8;
	[tilespmem:$0x19820] =	vst v63  }
0x95: {  	s17 =	simm.s32 @!p1 $0x5000;
	s10 =	sshrl.u32 @!p1 s10, $0x3;
	s16 =	simm.s32 @!p1 $0x7D  }
0x96: {  	[tilespmem:s17], [sflag:$0x1] =	stream.indirect.gather @!p1 [hbm4b:s0+s16], $0x20, s15, s16, $0xb8;
	[tilespmem:$0x19820] =	vst v63  }
0x97: {  	s10 =	sadd.s32 @!p1 s6, s10;
	s15 =	sadd.s32 @!p1 $0x2800, s15;
	s17 =	simm.s32 @!p1 $0x6F40  }
0x98: {  	[tilespmem:s17], [sflag:$0x1] =	stream.indirect.gather @!p1 [hbm4b:s5+s16], $0x20, s15, s16, $0xb8;
	[tilespmem:$0x19820] =	vst v63  }
0x99: {  	s15 =	simm.s32 @!p1 $0x20;
	s16 =	simm.s32 @!p1 $0x80;
	s17 =	simm.s32 @!p1 $0x8E80  }
0x9a: {  	[tilespmem:s17], [sflag:$0x1] =	stream.strided.gather @!p1 [hbm4b:s10+s15], $0xFA0, s16, s15, $0x38;
	[tilespmem:$0x19820] =	vst v63  }
0x9b: {  	_ =	swait.ge [sflag:s2], $0xFA0  }
0x9c: {  	[sflag:s2] =	ssyncset.done $0x0  }
0x9d: {  	[sflag:s2] =	ssyncadd.s32 $0xFFFFF060  }
0x9e: {  	_ =	swait.ge [sflag:s2], $0xFA0  }
0x9f: {  	[sflag:s2] =	ssyncset.done $0x0  }
0xa0: {  	[sflag:s2] =	ssyncadd.s32 $0xFFFFF060  }
0xa1: {  	_ =	swait.ge [sflag:s2], $0xFA0  }
0xa2: {  	[sflag:s2] =	ssyncset.done $0x0  }
0xa3: {  	s10 =	simm.s32 @!p0 $0x4;
	[sflag:s2] =	ssyncadd.s32 $0xFFFFF060  }
0xa4: {  	_ =	swait.ge @!p0 [sflag:s10], $0x1388  }
0xa5: {  	[sflag:s10] =	ssyncset.done @!p0 $0x0  }
0xa6: {  	s25 =	simm.s32 $0x5FF0;
	[sflag:s10] =	ssyncadd.s32 @!p0 $0xFFFFEC78  }
0xa7: {  	s10 =	simm.s32 $0x7F30;
	v0 =	vld [tilespmem:s25+$0x30]  }
0xa8: {  	v1 =	vld [tilespmem:s10+$0x30]  }
0xa9: {  	s18 =	simm.s32 $0x9E70;
	v2 =	vld [tilespmem:s10+$0xFFFFFFB0]  }
0xaa: {  	v3 =	vld [tilespmem:s18+$0x30]  }
0xab: {  	v4 =	vld [tilespmem:s25+$0xFFFFFFD0]  }
0xac: {  	v5 =	vld [tilespmem:s10+$0xFFFFFFD0]  }
0xad: {  	v7 =	vld [tilespmem:s25+$0xFFFFFFB0]  }
0xae: {  	v6 =	vld [tilespmem:s25+$0xFFFFFFF0]  }
0xaf: {  	v8 =	vld [tilespmem:s18+$0xFFFFFFB0];
	v0 =	vadd.f32 v1, v0  }
0xb0: {  	v62 =	vld [tilespmem:s25+$0x10]  }
0xb1: {  	v1 =	vld [tilespmem:s10+$0xFFFFFFF0];
	v0 =	vadd.f32 v3, v0  }
0xb2: {  	v2 =	vadd.f32 v2, v7;
	v3 =	vld [tilespmem:s18+$0xFFFFFFD0]  }
0xb3: {  	s15 =	simm.s32 $0xC1A8;
	v7 =	vld [tilespmem:s10+$0x10];
	v0 =	vmax.f32 v0, $0.0e+00  }
0xb4: {  	v2 =	vadd.f32 v8, v2;
	[tilespmem:s15+$0x40] =	vst v0;
	v0 =	vld [tilespmem:s18+$0xFFFFFFF0]  }
0xb5: {  	v4 =	vadd.f32 v5, v4;
	v8 =	vld [tilespmem:s18+$0x10]  }
0xb6: {  	v2 =	vmax.f32 v2, $0.0e+00;
	v5 =	vld [tilespmem:s25+$0x40]  }
0xb7: {  	v1 =	vadd.f32 v1, v6;
	[tilespmem:s15+$0xFFFFFFA0] =	vst v2;
	v6 =	vld [tilespmem:s10+$0x40];
	v3 =	vadd.f32 v3, v4  }
0xb8: {  	v2 =	vadd.f32 v7, v62;
	v7 =	vld [tilespmem:s25+$0xFFFFFFC0]  }
0xb9: {  	v4 =	vld [tilespmem:s18+$0x40];
	v3 =	vmax.f32 v3, $0.0e+00;
	v0 =	vadd.f32 v0, v1  }
0xba: {  	v63 =	vld [tilespmem:s10+$0xFFFFFFC0];
	[tilespmem:s15+$0xFFFFFFC8] =	vst v3  }
0xbb: {  	v1 =	vadd.f32 v8, v2;
	v8 =	vld [tilespmem:s25+$0xFFFFFFE0];
	v0 =	vmax.f32 v0, $0.0e+00  }
0xbc: {  	v2 =	vadd.f32 v6, v5;
	v10 =	vld [tilespmem:s10+$0xFFFFFFE0];
	[tilespmem:s15+$0xFFFFFFF0] =	vst v0  }
0xbd: {  	v0 =	vmax.f32 v1, $0.0e+00;
	v1 =	vld [tilespmem:s25+$0x0]  }
0xbe: {  	v3 =	vadd.f32 v4, v2;
	[tilespmem:s15+$0x18] =	vst v0;
	v4 =	vld [tilespmem:s10+$0x0]  }
0xbf: {  	v2 =	vld [tilespmem:s25+$0x20]  }
0xc0: {  	s24 =	simm.s32 $0x9E70;
	v0 =	vmax.f32 v3, $0.0e+00;
	v5 =	vld [tilespmem:s10+$0x20]  }
0xc1: {  	s17 =	simm.s32 $0x0;
	s16 =	simm.s32 $0xC1A8;
	v6 =	vld [tilespmem:s18+$0xFFFFFFC0];
	v3 =	vadd.f32 v63, v7;
	s25 =	simm.s32 $0x6090;
	[tilespmem:s15+$0x50] =	vst v0;
	v0 =	vadd.f32 v10, v8  }
.LBB2_5:
0xc2: {  	v7 =	vld [tilespmem:s25+$0x30];
	s10 =	sadd.s32 $0xA0, s10  }
0xc3: {  	v8 =	vld [tilespmem:s10+$0x30];
	v1 =	vadd.f32 v4, v1  }
0xc4: {  	s17 =	sadd.s32 $0x5, s17;
	s18 =	sadd.s32 $0xA0, s18;
	v4 =	vld [tilespmem:s10+$0xFFFFFFB0]  }
0xc5: {  	p0 =	slt.u32 s17, $0x78;
	v9 =	vld [tilespmem:s18+$0x30];
	v2 =	vadd.f32 v5, v2  }
0xc6: {  	v5 =	vld [tilespmem:s25+$0xFFFFFFD0];
	v3 =	vadd.f32 v6, v3  }
0xc7: {  	v6 =	vld [tilespmem:s10+$0xFFFFFFD0]  }
0xc8: {  	v10 =	vld [tilespmem:s25+$0xFFFFFFF0];
	v7 =	vadd.f32 v8, v7;
	v3 =	vmax.f32 v3, $0.0e+00  }
0xc9: {  	v8 =	vld [tilespmem:s10+$0xFFFFFFF0];
	[tilespmem:s15+$0xFFFFFFB0] =	vst v3  }
0xca: {  	v3 =	vld [tilespmem:s25+$0x10];
	v7 =	vadd.f32 v9, v7  }
0xcb: {  	v9 =	vld [tilespmem:s10+$0x10]  }
0xcc: {  	s15 =	sadd.s32 $0xC8, s15;
	v11 =	vld [tilespmem:s25+$0xFFFFFFB0];
	v5 =	vadd.f32 v6, v5;
	v6 =	vmax.f32 v7, $0.0e+00  }
0xcd: {  	v7 =	vld [tilespmem:s18+$0xFFFFFFB0];
	[tilespmem:s15+$0x40] =	vst v6  }
0xce: {  	v6 =	vadd.f32 v8, v10;
	v8 =	vld [tilespmem:s25+$0x40]  }
0xcf: {  	v10 =	vld [tilespmem:s10+$0x40]  }
0xd0: {  	v12 =	vld [tilespmem:s18+$0xFFFFFFD0];
	v3 =	vadd.f32 v9, v3  }
0xd1: {  	v4 =	vadd.f32 v4, v11;
	v9 =	vld [tilespmem:s18+$0x40]  }
0xd2: {  	v11 =	vld [tilespmem:s18+$0xFFFFFFF0]  }
0xd3: {  	v4 =	vadd.f32 v7, v4;
	v7 =	vld [tilespmem:s18+$0x10]  }
0xd4: {  	v8 =	vadd.f32 v10, v8;
	v10 =	vld [tilespmem:s24+$0xFFFFFFE0]  }
0xd5: {  	v4 =	vmax.f32 v4, $0.0e+00;
	v5 =	vadd.f32 v12, v5;
	v12 =	vld [tilespmem:s24+$0x0]  }
0xd6: {  	[tilespmem:s15+$0xFFFFFFA0] =	vst v4;
	v4 =	vadd.f32 v9, v8;
	v8 =	vld [tilespmem:s24+$0x20];
	s24 =	smov.u32 s18  }
0xd7: {  	v9 =	vld [tilespmem:s25+$0xFFFFFFC0];
	v5 =	vmax.f32 v5, $0.0e+00;
	v6 =	vadd.f32 v11, v6  }
0xd8: {  	v11 =	vld [tilespmem:s10+$0xFFFFFFC0];
	[tilespmem:s15+$0xFFFFFFC8] =	vst v5;
	v3 =	vadd.f32 v7, v3;
	v4 =	vmax.f32 v4, $0.0e+00  }
0xd9: {  	v7 =	vld [tilespmem:s25+$0xFFFFFFE0];
	v5 =	vmax.f32 v6, $0.0e+00;
	[tilespmem:s15+$0x50] =	vst v4;
	v0 =	vadd.f32 v10, v0  }
0xda: {  	v10 =	vld [tilespmem:s10+$0xFFFFFFE0];
	[tilespmem:s15+$0xFFFFFFF0] =	vst v5;
	v3 =	vmax.f32 v3, $0.0e+00;
	v5 =	vadd.f32 v12, v1  }
.Ltmp1:
0xdb: {  	v1 =	vld [tilespmem:s25+$0x0];
	[tilespmem:s15+$0x18] =	vst v3;
	v0 =	vmax.f32 v0, $0.0e+00;
	v6 =	vadd.f32 v8, v2;
	(pc) =	sbr.rel @p0 .LBB2_5-.Ltmp1, $4  }
0xdc: {  	v4 =	vld [tilespmem:s10+$0x0];
	[tilespmem:s16+$0xFFFFFFD8] =	vst v0;
	v0 =	vmax.f32 v5, $0.0e+00  }
0xdd: {  	v3 =	vadd.f32 v11, v9;
	v2 =	vld [tilespmem:s25+$0x20];
	[tilespmem:s16+$0x0] =	vst v0;
	v0 =	vmax.f32 v6, $0.0e+00  }
0xde: {  	v5 =	vld [tilespmem:s10+$0x20];
	[tilespmem:s16+$0x28] =	vst v0;
	s16 =	smov.u32 s15  }
0xdf: {  	s25 =	sadd.s32 $0xA0, s25;
	v6 =	vld [tilespmem:s18+$0xFFFFFFC0];
	v0 =	vadd.f32 v10, v7  }
0xe0: {  	v7 =	vld [tilespmem:s24+$0xFFFFFFE0]  }
0xe1: {  	v8 =	vld [tilespmem:s24+$0x0]  }
0xe2: {  	v9 =	vld [tilespmem:s24+$0x20];
	_ =	sdelay $0x1  }
0xe3: {  	v1 =	vadd.f32 v4, v1;
	v3 =	vadd.f32 v6, v3  }
0xe4: {  	s7 =	sadd.s32 $0x1, s7;
	v2 =	vadd.f32 v5, v2;
	v0 =	vadd.f32 v7, v0  }
0xe5: {  	p0 =	sne.s32 s7, $0x28;
	v1 =	vadd.f32 v8, v1;
	v3 =	vmax.f32 v3, $0.0e+00  }
.Ltmp2:
0xe6: {  	v2 =	vadd.f32 v9, v2;
	[tilespmem:s15+$0xFFFFFFB0] =	vst v3;
	v0 =	vmax.f32 v0, $0.0e+00;
	(pc) =	sbr.rel @p0 .LBB2_2-.Ltmp2, $4  }
0xe7: {  	v62 =	vmax.f32 v1, $0.0e+00;
	[tilespmem:s16+$0xFFFFFFD8] =	vst v0  }
0xe8: {  	v63 =	vmax.f32 v2, $0.0e+00;
	[tilespmem:s16+$0x0] =	vst v62  }
0xe9: {  	s9 =	sadd.s32 $0x80, s9;
	[tilespmem:s16+$0x28] =	vst v63  }
0xea: {  	[spmem:s3] =	stream.indirect.scatter.add.f32 [tilespmem:s20], [sflag:$0x4], $0x28, s9, s23, $0xb8;
	[tilespmem:$0x19820] =	vst v63  }
0xeb: {  	s7 =	simm.s32 $0x3  }
0xec: {  	_ =	swait.ge [sflag:s7], $0x1388  }
0xed: {  	[sflag:s7] =	ssyncset.done $0x0  }
0xee: {  	s18 =	simm.s32 $0x4;
	[sflag:s7] =	ssyncadd.s32 $0xFFFFEC78  }
0xef: {  	_ =	swait.ge [sflag:s18], $0x1388  }
0xf0: {  	[sflag:s18] =	ssyncset.done $0x0  }
0xf1: {  	[sflag:s18] =	ssyncadd.s32 $0xFFFFEC78  }
0xf2: {  	[bflag:$0x0] =	sbarrier.arrive $0xFFFF  }
0xf3: {  	[tilespmem:s21], [sflag:$0x5] =	stream.linear.gather [spmem:s14], $0x61A8, $0x38;
	[tilespmem:$0x19820] =	vst v63  }
0xf4: {  	_ =	swait.ge [sflag:s22], $0x61A8  }
0xf5: {  	[sflag:s22] =	ssyncset.done $0x0  }
0xf6: {  	s24 =	rddreg [dreg:$0x8];
	[sflag:s22] =	ssyncadd.s32 $0xFFFF9E58  }
0xf7: {  	[hbm4b:s24+s4] =	stream.linear.scatter [tilespmem:s21], [sflag:$0x5], $0x61A8, $0x38;
	[tilespmem:$0x19820] =	vst v63  }
0xf8: {  	_ =	swait.ge [sflag:s22], $0x61A8  }
0xf9: {  	s29 =	sadd.s32 $0x1, s29;
	s25 =	rddreg [dreg:$0x9]  }
0xfa: {  	p0 =	sne.s32 s29, s25  }
.Ltmp3:
0xfb: {  	_ = 	snop;
	(pc) =	sbr.rel @p0 .LBB2_1-.Ltmp3, $3  }
0xfc: {  	_ =	sdelay $0x1  }
0xfd: {  	[sflag:s22] =	ssyncset.done $0x0  }
0xfe: {  	[sflag:s22] =	ssyncadd.s32 $0xFFFF9E58  }
0xff: {  	_ =	sfence.sel $0x180000  }
0x100: {  	[bflag:$0x0] =	sbarrier.arrive $0xFFFF  }
0x101: {  	_ =	strace $0x90000047  }
0x102: {  	s0 =	stileid.u32;
	[bflag:$0x2] =	sbarrier.arrive $0xFFFF  }
0x103: {  	p0 =	sne.s32 s0, $0x0;
	s0 =	rddreg [dreg:$0x3]  }
0x104: {  	s0 =	sadd.s32 @!p0 $0x100000, s0  }
0x105: {  	[sflag:s0] =	ssyncadd.tile.s32 @!p0 $0x1;
	_ =	shalt  }
.Lfunc_end2:
_tile_overlayer_lowered:
.L_overlay_start_2:
0x106: {  	(tag) =	ssettag $0x2  }
0x107: {  	s0 =	rddreg [dreg:$0x0];
	s2 =	stileid.u32  }
0x108: {  	s1 =	rddreg [dreg:$0x1];
	p0 =	sne.s32 s2, $0x0  }
0x109: {  	s3 =	rddreg [dreg:$0x2];
	[bflag:$0x3] =	sbarrier.arrive $0xFFFF;
	s2 =	simm.s32 @!p0 $0x1C05  }
0x10a: {  	[timem:s3], [sflag:s2] =	dma.local @!p0 [hbm:s0], s1  }
0x10b: {  	s0 =	simm.s32 @!p0 $0x5  }
0x10c: {  	_ =	swait.ge @!p0 [sflag:s0], s1  }
0x10d: {  	s1 =	ssub.s32 @!p0 $0x0, s1;
	[sflag:s0] =	ssyncset.done @!p0 $0x0  }
0x10e: {  	[sflag:s0] =	ssyncadd.s32 @!p0 s1  }
0x10f: {  	[bflag:$0x3] =	sbarrier.arrive $0xFFFF  }
0x110: {  	_ =	shalt  }

</sc_bundles>
